<compile_context>
chip_gen: v7x
topology: tpu7x:2x2x1
jax: 0.10.2.dev20260603
libtpu: 0.0.44.dev20260713+nightly
codegen_flags: <defaults>
</compile_context>

<pallas_src>
import functools

import jax
import jax.numpy as jnp
import numpy as np
from jax.experimental import pallas as pl
from jax.experimental.pallas import tpu as pltpu
from jax.experimental.pallas import tpu_sc as plsc

_BINS = 10
_ROWS_PER_BLOCK = 2048


def _sc_gather_kernel(flat_ref, t_ref, out_ref, t_v, idx_v, row_v, sem, *,
                      c, per_w):
    wid = jax.lax.axis_index("s") * 2 + jax.lax.axis_index("c")
    base = wid * per_w
    pltpu.sync_copy(t_ref.at[pl.ds(base, per_w)], t_v)
    nchunk = per_w // 16
    for j in range(nchunk):
        rows = jax.lax.broadcasted_iota(jnp.int32, (16,), 0) + (base + j * 16)
        tj = t_v[pl.ds(j * 16, 16)]
        idx_v[j // 8, pl.ds((j % 8) * 16, 16)] = rows * c + tj
    copies = []
    for k in range(per_w // 128):
        copies.append(pltpu.async_copy(
            flat_ref.at[idx_v.at[k]], row_v.at[k], sem))
    for cp in copies:
        cp.wait()
    for k in range(per_w // 128):
        pltpu.sync_copy(row_v.at[k], out_ref.at[pl.ds(base + k * 128, 128)])


def _sc_gather(logits, t32):
    n, c = logits.shape
    per_w = n // 32
    flat = logits.reshape(n * c)
    kfn = pl.kernel(
        functools.partial(_sc_gather_kernel, c=c, per_w=per_w),
        mesh=plsc.VectorSubcoreMesh(core_axis_name="c", subcore_axis_name="s"),
        out_type=jax.ShapeDtypeStruct((n,), jnp.float32),
        scratch_types=[
            pltpu.VMEM((per_w,), jnp.int32),
            pltpu.VMEM((per_w // 128, 128), jnp.int32),
            pltpu.VMEM((per_w // 128, 128), jnp.float32),
            pltpu.SemaphoreType.DMA,
        ],
    )
    return kfn(flat, t32)


def _ghm_block_kernel(x_ref, lt_ref, out_ref, cnt_ref, ce_ref, *, nsteps):
    step = pl.program_id(0)

    @pl.when(step == 0)
    def _init():
        cnt_ref[...] = jnp.zeros_like(cnt_ref)
        ce_ref[...] = jnp.zeros_like(ce_ref)

    x = x_ref[...]
    lt = lt_ref[...]

    m = jnp.max(x, axis=1, keepdims=True)
    e = jnp.exp(x - m)
    s = jnp.sum(e, axis=1, keepdims=True)

    ce = jnp.log(s) + m - lt
    grad = 2.0 - 2.0 * (jnp.exp(lt - m) / s)

    lane = jax.lax.broadcasted_iota(jnp.int32, (1, 16), 1)
    lane_f = lane.astype(jnp.float32)
    inf = jnp.float32(np.inf)
    ev_lo = jnp.where(lane == 0, -inf,
                      jnp.where(lane <= _BINS - 1, lane_f / _BINS, inf))
    ev_hi = jnp.where(lane >= _BINS - 1, inf, (lane_f + 1.0) / _BINS)

    sel = jnp.where((ev_lo < grad) & ~(ev_hi < grad), 1.0, 0.0)
    cnt_ref[...] += jnp.sum(sel, axis=0, keepdims=True)
    ce_ref[...] += jnp.sum(ce * sel, axis=0, keepdims=True)

    @pl.when(step == nsteps - 1)
    def _final():
        counts = cnt_ref[...]
        ce_sums = ce_ref[...]
        w = 1.0 / (0.25 * counts + 2e-07)
        num = jnp.sum(ce_sums * w, keepdims=True)
        den = jnp.sum(counts * w, keepdims=True)
        out_ref[...] = (num / den).reshape(1, 1)


@jax.jit
def kernel(logits, targets):
    n, c = logits.shape
    r = _ROWS_PER_BLOCK
    nsteps = n // r
    t32 = targets.astype(jnp.int32)
    lt = _sc_gather(logits, t32).reshape(n, 1)

    out = pl.pallas_call(
        functools.partial(_ghm_block_kernel, nsteps=nsteps),
        grid=(nsteps,),
        in_specs=[
            pl.BlockSpec((r, c), lambda i: (i, 0)),
            pl.BlockSpec((r, 1), lambda i: (i, 0)),
        ],
        out_specs=pl.BlockSpec((1, 1), lambda i: (0, 0)),
        out_shape=jax.ShapeDtypeStruct((1, 1), jnp.float32),
        scratch_shapes=[
            pltpu.VMEM((1, 16), jnp.float32),
            pltpu.VMEM((1, 16), jnp.float32),
        ],
        compiler_params=pltpu.CompilerParams(
            dimension_semantics=("arbitrary",)),
    )(logits, lt)
    return out.reshape(())

# --- scband reference (transcript-rebuilt; emitter-appended) ---
"""Pipeline reference for scband-ghm-loss-40175124087465 (READ-ONLY COPY).

The authoritative reference and input builder live on the scoring server;
editing this copy changes nothing except your own understanding.
"""

import jax, jax.numpy as jnp
import numpy as np

BINS = 10
MOMENTUM = 0.75
LOSS_WEIGHT = 1.0


def setup_inputs(seed: int = 0) -> dict:
    key = jax.random.key(seed)
    logits = jax.random.normal(jax.random.fold_in(key, 0), (16384, 1000), dtype=jnp.float32)
    targets = jax.random.randint(jax.random.fold_in(key, 1), (16384,), 0, 1000, dtype=jnp.int64)
    return {"logits": logits, "targets": targets}


def reference(logits, targets):
    bins = BINS
    momentum = MOMENTUM
    edges = jnp.arange(bins + 1, dtype=jnp.float32) / bins
    edges = edges.at[-1].add(1e-06)

    # use_sigmoid=False branch: softmax multi-class
    probs = jax.nn.softmax(logits, axis=1)
    targets_one_hot = jax.nn.one_hot(targets, logits.shape[1], dtype=jnp.float32)
    grad = jnp.abs(probs - targets_one_hot).sum(axis=1)

    # gradient density via histogram binning
    bin_idx = jnp.searchsorted(edges, grad, side='left') - 1
    bin_idx = jnp.clip(bin_idx, 0, bins - 1)
    bin_count = jnp.bincount(bin_idx, length=bins).astype(jnp.float32)
    # momentum update: acc_sum starts at zeros -> momentum*0 + (1-momentum)*bin_count
    bin_count = momentum * jnp.zeros(bins, dtype=jnp.float32) + (1.0 - momentum) * bin_count
    bin_count = bin_count + 1e-07
    grad_density = bin_count[bin_idx]

    # cross_entropy with reduction='none'
    log_probs = jax.nn.log_softmax(logits, axis=1)
    loss = -jnp.take_along_axis(log_probs, targets[:, None], axis=1)[:, 0]

    ghm_weights = 1.0 / (grad_density + 1e-07)
    ghm_weights = ghm_weights / ghm_weights.sum() * logits.shape[0]
    loss = loss * ghm_weights
    return loss.mean() * LOSS_WEIGHT

if __name__ == "__main__":
    import jax
    _d = setup_inputs()
    print(jax.jit(kernel)(*tuple(_d.values())))

</pallas_src>

<mosaic_0001>
#map = affine_map<(d0, d1) -> (0)>
module attributes {stable_mosaic.version = 14 : i64} {
  func.func @_sc_gather_kernel(%arg0: i32, %arg1: i32, %arg2: memref<16384000xf32, #tpu.memory_space<hbm>>, %arg3: memref<16384xi32, #tpu.memory_space<hbm>>, %arg4: memref<16384xf32, #tpu.memory_space<hbm>>, %arg5: memref<512xi32, #tpu.memory_space<vmem>>, %arg6: memref<4x128xi32, #tpu.memory_space<vmem>>, %arg7: memref<4x128xf32, #tpu.memory_space<vmem>>, %arg8: memref<!tpu.dma_semaphore, #tpu.memory_space<semaphore_mem>>) attributes {dimension_semantics = [#tpu.dimension_semantics<core_parallel>, #tpu.dimension_semantics<subcore_parallel>], iteration_bounds = array<i64: 2, 16>, scalar_prefetch = 0 : i64, scratch_operands = 4 : i64, tpu.core_type = #tpu.core_type<sc_vector_subcore>, window_params = [{transform_indices = #map}, {transform_indices = #map}, {transform_indices = #map}]} {
    %mul3A = arith.constant 2 : i32
    %mul3A_0 = arith.muli %arg1, %mul3A : i32
    %add3A = arith.addi %mul3A_0, %arg0 : i32
    %mul3A_1 = arith.constant 512 : i32
    %mul3A_2 = arith.muli %add3A, %mul3A_1 : i32
    "tpu.region"() ({
      %run_scoped3A_665 = tpu.sem_alloc : memref<!tpu.dma_semaphore, #tpu.memory_space<semaphore_mem>>
      %dma_start3A_666 = tpu.memref_slice %arg3[%mul3A_2] : memref<16384xi32, #tpu.memory_space<hbm>> -> memref<512xi32, #tpu.memory_space<hbm>>
      %dma_start3A_667 = tpu.memref_slice %arg3[%mul3A_2] : memref<16384xi32, #tpu.memory_space<hbm>> -> memref<512xi32, #tpu.memory_space<hbm>>
      tpu.enqueue_dma source(%dma_start3A_667 : memref<512xi32, #tpu.memory_space<hbm>>) target(%arg5 : memref<512xi32, #tpu.memory_space<vmem>>) target_semaphore(%run_scoped3A_665 : memref<!tpu.dma_semaphore, #tpu.memory_space<semaphore_mem>>)
      %dma_wait3A_668 = tpu.memref_slice %arg3[%mul3A_2] : memref<16384xi32, #tpu.memory_space<hbm>> -> memref<512xi32, #tpu.memory_space<hbm>>
      %dma_wait3A_669 = tpu.memref_slice %arg3[%mul3A_2] : memref<16384xi32, #tpu.memory_space<hbm>> -> memref<512xi32, #tpu.memory_space<hbm>>
      tpu.wait_dma2 semaphore(%run_scoped3A_665 : memref<!tpu.dma_semaphore, #tpu.memory_space<semaphore_mem>>) src(%dma_wait3A_669 : memref<512xi32, #tpu.memory_space<hbm>>) dst(%arg5 : memref<512xi32, #tpu.memory_space<vmem>>)
      tpu.yield
    }) : () -> ()
    %iota3A = tpu.iota {dimensions = array<i32: 0>} : vector<16xi32>
    %add3A_3 = arith.constant 0 : i32
    %add3A_4 = arith.addi %mul3A_2, %add3A_3 : i32
    %add3A_5 = vector.broadcast %add3A_4 : i32 to vector<16xi32>
    %add3A_6 = arith.addi %iota3A, %add3A_5 : vector<16xi32>
    %get3A = arith.constant 0 : index
    %get3A_7 = tpu.vector_load %arg5[%get3A] {strides = array<i32>} : memref<512xi32, #tpu.memory_space<vmem>>, vector<16xi32>,
    %get3A_8 = vector.shape_cast %get3A_7 : vector<16xi32> to vector<16xi32>
    %mul3A_9 = arith.constant 1000 : i32
    %mul3A_10 = vector.broadcast %mul3A_9 : i32 to vector<16xi32>
    %mul3A_11 = arith.muli %add3A_6, %mul3A_10 : vector<16xi32>
    %add3A_12 = arith.addi %mul3A_11, %get3A_8 : vector<16xi32>
    %swap3A = arith.constant 0 : i32
    %swap3A_13 = arith.index_cast %swap3A : i32 to index
    %swap3A_14 = arith.constant 0 : index
    %swap3A_15 = tpu.vector_load %arg6[%swap3A_13, %swap3A_14] {strides = array<i32>} : memref<4x128xi32, #tpu.memory_space<vmem>>, vector<1x16xi32>,
    %swap3A_16 = vector.shape_cast %swap3A_15 : vector<1x16xi32> to vector<16xi32>
    %swap3A_17 = vector.shape_cast %add3A_12 : vector<16xi32> to vector<1x16xi32>
    tpu.vector_store %arg6[%swap3A_13, %swap3A_14], %swap3A_17 {strides = array<i32>} : memref<4x128xi32, #tpu.memory_space<vmem>>, vector<1x16xi32>,
    %iota3A_18 = tpu.iota {dimensions = array<i32: 0>} : vector<16xi32>
    %add3A_19 = arith.constant 16 : i32
    %add3A_20 = arith.addi %mul3A_2, %add3A_19 : i32
    %add3A_21 = vector.broadcast %add3A_20 : i32 to vector<16xi32>
    %add3A_22 = arith.addi %iota3A_18, %add3A_21 : vector<16xi32>
    %get3A_23 = arith.constant 16 : index
    %get3A_24 = tpu.vector_load %arg5[%get3A_23] {strides = array<i32>} : memref<512xi32, #tpu.memory_space<vmem>>, vector<16xi32>,
    %get3A_25 = vector.shape_cast %get3A_24 : vector<16xi32> to vector<16xi32>
    %mul3A_26 = arith.constant 1000 : i32
    %mul3A_27 = vector.broadcast %mul3A_26 : i32 to vector<16xi32>
    %mul3A_28 = arith.muli %add3A_22, %mul3A_27 : vector<16xi32>
    %add3A_29 = arith.addi %mul3A_28, %get3A_25 : vector<16xi32>
    %swap3A_30 = arith.constant 0 : i32
    %swap3A_31 = arith.index_cast %swap3A_30 : i32 to index
    %swap3A_32 = arith.constant 16 : index
    %swap3A_33 = tpu.vector_load %arg6[%swap3A_31, %swap3A_32] {strides = array<i32>} : memref<4x128xi32, #tpu.memory_space<vmem>>, vector<1x16xi32>,
    %swap3A_34 = vector.shape_cast %swap3A_33 : vector<1x16xi32> to vector<16xi32>
    %swap3A_35 = vector.shape_cast %add3A_29 : vector<16xi32> to vector<1x16xi32>
    tpu.vector_store %arg6[%swap3A_31, %swap3A_32], %swap3A_35 {strides = array<i32>} : memref<4x128xi32, #tpu.memory_space<vmem>>, vector<1x16xi32>,
    %iota3A_36 = tpu.iota {dimensions = array<i32: 0>} : vector<16xi32>
    %add3A_37 = arith.constant 32 : i32
    %add3A_38 = arith.addi %mul3A_2, %add3A_37 : i32
    %add3A_39 = vector.broadcast %add3A_38 : i32 to vector<16xi32>
    %add3A_40 = arith.addi %iota3A_36, %add3A_39 : vector<16xi32>
    %get3A_41 = arith.constant 32 : index
    %get3A_42 = tpu.vector_load %arg5[%get3A_41] {strides = array<i32>} : memref<512xi32, #tpu.memory_space<vmem>>, vector<16xi32>,
    %get3A_43 = vector.shape_cast %get3A_42 : vector<16xi32> to vector<16xi32>
    %mul3A_44 = arith.constant 1000 : i32
    %mul3A_45 = vector.broadcast %mul3A_44 : i32 to vector<16xi32>
    %mul3A_46 = arith.muli %add3A_40, %mul3A_45 : vector<16xi32>
    %add3A_47 = arith.addi %mul3A_46, %get3A_43 : vector<16xi32>
    %swap3A_48 = arith.constant 0 : i32
    %swap3A_49 = arith.index_cast %swap3A_48 : i32 to index
    %swap3A_50 = arith.constant 32 : index
    %swap3A_51 = tpu.vector_load %arg6[%swap3A_49, %swap3A_50] {strides = array<i32>} : memref<4x128xi32, #tpu.memory_space<vmem>>, vector<1x16xi32>,
    %swap3A_52 = vector.shape_cast %swap3A_51 : vector<1x16xi32> to vector<16xi32>
    %swap3A_53 = vector.shape_cast %add3A_47 : vector<16xi32> to vector<1x16xi32>
    tpu.vector_store %arg6[%swap3A_49, %swap3A_50], %swap3A_53 {strides = array<i32>} : memref<4x128xi32, #tpu.memory_space<vmem>>, vector<1x16xi32>,
    %iota3A_54 = tpu.iota {dimensions = array<i32: 0>} : vector<16xi32>
    %add3A_55 = arith.constant 48 : i32
    %add3A_56 = arith.addi %mul3A_2, %add3A_55 : i32
    %add3A_57 = vector.broadcast %add3A_56 : i32 to vector<16xi32>
    %add3A_58 = arith.addi %iota3A_54, %add3A_57 : vector<16xi32>
    %get3A_59 = arith.constant 48 : index
    %get3A_60 = tpu.vector_load %arg5[%get3A_59] {strides = array<i32>} : memref<512xi32, #tpu.memory_space<vmem>>, vector<16xi32>,
    %get3A_61 = vector.shape_cast %get3A_60 : vector<16xi32> to vector<16xi32>
    %mul3A_62 = arith.constant 1000 : i32
    %mul3A_63 = vector.broadcast %mul3A_62 : i32 to vector<16xi32>
    %mul3A_64 = arith.muli %add3A_58, %mul3A_63 : vector<16xi32>
    %add3A_65 = arith.addi %mul3A_64, %get3A_61 : vector<16xi32>
    %swap3A_66 = arith.constant 0 : i32
    %swap3A_67 = arith.index_cast %swap3A_66 : i32 to index
    %swap3A_68 = arith.constant 48 : index
    %swap3A_69 = tpu.vector_load %arg6[%swap3A_67, %swap3A_68] {strides = array<i32>} : memref<4x128xi32, #tpu.memory_space<vmem>>, vector<1x16xi32>,
    %swap3A_70 = vector.shape_cast %swap3A_69 : vector<1x16xi32> to vector<16xi32>
    %swap3A_71 = vector.shape_cast %add3A_65 : vector<16xi32> to vector<1x16xi32>
    tpu.vector_store %arg6[%swap3A_67, %swap3A_68], %swap3A_71 {strides = array<i32>} : memref<4x128xi32, #tpu.memory_space<vmem>>, vector<1x16xi32>,
    %iota3A_72 = tpu.iota {dimensions = array<i32: 0>} : vector<16xi32>
    %add3A_73 = arith.constant 64 : i32
    %add3A_74 = arith.addi %mul3A_2, %add3A_73 : i32
    %add3A_75 = vector.broadcast %add3A_74 : i32 to vector<16xi32>
    %add3A_76 = arith.addi %iota3A_72, %add3A_75 : vector<16xi32>
    %get3A_77 = arith.constant 64 : index
    %get3A_78 = tpu.vector_load %arg5[%get3A_77] {strides = array<i32>} : memref<512xi32, #tpu.memory_space<vmem>>, vector<16xi32>,
    %get3A_79 = vector.shape_cast %get3A_78 : vector<16xi32> to vector<16xi32>
    %mul3A_80 = arith.constant 1000 : i32
    %mul3A_81 = vector.broadcast %mul3A_80 : i32 to vector<16xi32>
    %mul3A_82 = arith.muli %add3A_76, %mul3A_81 : vector<16xi32>
    %add3A_83 = arith.addi %mul3A_82, %get3A_79 : vector<16xi32>
    %swap3A_84 = arith.constant 0 : i32
    %swap3A_85 = arith.index_cast %swap3A_84 : i32 to index
    %swap3A_86 = arith.constant 64 : index
    %swap3A_87 = tpu.vector_load %arg6[%swap3A_85, %swap3A_86] {strides = array<i32>} : memref<4x128xi32, #tpu.memory_space<vmem>>, vector<1x16xi32>,
    %swap3A_88 = vector.shape_cast %swap3A_87 : vector<1x16xi32> to vector<16xi32>
    %swap3A_89 = vector.shape_cast %add3A_83 : vector<16xi32> to vector<1x16xi32>
    tpu.vector_store %arg6[%swap3A_85, %swap3A_86], %swap3A_89 {strides = array<i32>} : memref<4x128xi32, #tpu.memory_space<vmem>>, vector<1x16xi32>,
    %iota3A_90 = tpu.iota {dimensions = array<i32: 0>} : vector<16xi32>
    %add3A_91 = arith.constant 80 : i32
    %add3A_92 = arith.addi %mul3A_2, %add3A_91 : i32
    %add3A_93 = vector.broadcast %add3A_92 : i32 to vector<16xi32>
    %add3A_94 = arith.addi %iota3A_90, %add3A_93 : vector<16xi32>
    %get3A_95 = arith.constant 80 : index
    %get3A_96 = tpu.vector_load %arg5[%get3A_95] {strides = array<i32>} : memref<512xi32, #tpu.memory_space<vmem>>, vector<16xi32>,
    %get3A_97 = vector.shape_cast %get3A_96 : vector<16xi32> to vector<16xi32>
    %mul3A_98 = arith.constant 1000 : i32
    %mul3A_99 = vector.broadcast %mul3A_98 : i32 to vector<16xi32>
    %mul3A_100 = arith.muli %add3A_94, %mul3A_99 : vector<16xi32>
    %add3A_101 = arith.addi %mul3A_100, %get3A_97 : vector<16xi32>
    %swap3A_102 = arith.constant 0 : i32
    %swap3A_103 = arith.index_cast %swap3A_102 : i32 to index
    %swap3A_104 = arith.constant 80 : index
    %swap3A_105 = tpu.vector_load %arg6[%swap3A_103, %swap3A_104] {strides = array<i32>} : memref<4x128xi32, #tpu.memory_space<vmem>>, vector<1x16xi32>,
    %swap3A_106 = vector.shape_cast %swap3A_105 : vector<1x16xi32> to vector<16xi32>
    %swap3A_107 = vector.shape_cast %add3A_101 : vector<16xi32> to vector<1x16xi32>
    tpu.vector_store %arg6[%swap3A_103, %swap3A_104], %swap3A_107 {strides = array<i32>} : memref<4x128xi32, #tpu.memory_space<vmem>>, vector<1x16xi32>,
    %iota3A_108 = tpu.iota {dimensions = array<i32: 0>} : vector<16xi32>
    %add3A_109 = arith.constant 96 : i32
    %add3A_110 = arith.addi %mul3A_2, %add3A_109 : i32
    %add3A_111 = vector.broadcast %add3A_110 : i32 to vector<16xi32>
    %add3A_112 = arith.addi %iota3A_108, %add3A_111 : vector<16xi32>
    %get3A_113 = arith.constant 96 : index
    %get3A_114 = tpu.vector_load %arg5[%get3A_113] {strides = array<i32>} : memref<512xi32, #tpu.memory_space<vmem>>, vector<16xi32>,
    %get3A_115 = vector.shape_cast %get3A_114 : vector<16xi32> to vector<16xi32>
    %mul3A_116 = arith.constant 1000 : i32
    %mul3A_117 = vector.broadcast %mul3A_116 : i32 to vector<16xi32>
    %mul3A_118 = arith.muli %add3A_112, %mul3A_117 : vector<16xi32>
    %add3A_119 = arith.addi %mul3A_118, %get3A_115 : vector<16xi32>
    %swap3A_120 = arith.constant 0 : i32
    %swap3A_121 = arith.index_cast %swap3A_120 : i32 to index
    %swap3A_122 = arith.constant 96 : index
    %swap3A_123 = tpu.vector_load %arg6[%swap3A_121, %swap3A_122] {strides = array<i32>} : memref<4x128xi32, #tpu.memory_space<vmem>>, vector<1x16xi32>,
    %swap3A_124 = vector.shape_cast %swap3A_123 : vector<1x16xi32> to vector<16xi32>
    %swap3A_125 = vector.shape_cast %add3A_119 : vector<16xi32> to vector<1x16xi32>
    tpu.vector_store %arg6[%swap3A_121, %swap3A_122], %swap3A_125 {strides = array<i32>} : memref<4x128xi32, #tpu.memory_space<vmem>>, vector<1x16xi32>,
    %iota3A_126 = tpu.iota {dimensions = array<i32: 0>} : vector<16xi32>
    %add3A_127 = arith.constant 112 : i32
    %add3A_128 = arith.addi %mul3A_2, %add3A_127 : i32
    %add3A_129 = vector.broadcast %add3A_128 : i32 to vector<16xi32>
    %add3A_130 = arith.addi %iota3A_126, %add3A_129 : vector<16xi32>
    %get3A_131 = arith.constant 112 : index
    %get3A_132 = tpu.vector_load %arg5[%get3A_131] {strides = array<i32>} : memref<512xi32, #tpu.memory_space<vmem>>, vector<16xi32>,
    %get3A_133 = vector.shape_cast %get3A_132 : vector<16xi32> to vector<16xi32>
    %mul3A_134 = arith.constant 1000 : i32
    %mul3A_135 = vector.broadcast %mul3A_134 : i32 to vector<16xi32>
    %mul3A_136 = arith.muli %add3A_130, %mul3A_135 : vector<16xi32>
    %add3A_137 = arith.addi %mul3A_136, %get3A_133 : vector<16xi32>
    %swap3A_138 = arith.constant 0 : i32
    %swap3A_139 = arith.index_cast %swap3A_138 : i32 to index
    %swap3A_140 = arith.constant 112 : index
    %swap3A_141 = tpu.vector_load %arg6[%swap3A_139, %swap3A_140] {strides = array<i32>} : memref<4x128xi32, #tpu.memory_space<vmem>>, vector<1x16xi32>,
    %swap3A_142 = vector.shape_cast %swap3A_141 : vector<1x16xi32> to vector<16xi32>
    %swap3A_143 = vector.shape_cast %add3A_137 : vector<16xi32> to vector<1x16xi32>
    tpu.vector_store %arg6[%swap3A_139, %swap3A_140], %swap3A_143 {strides = array<i32>} : memref<4x128xi32, #tpu.memory_space<vmem>>, vector<1x16xi32>,
    %iota3A_144 = tpu.iota {dimensions = array<i32: 0>} : vector<16xi32>
    %add3A_145 = arith.constant 128 : i32
    %add3A_146 = arith.addi %mul3A_2, %add3A_145 : i32
    %add3A_147 = vector.broadcast %add3A_146 : i32 to vector<16xi32>
    %add3A_148 = arith.addi %iota3A_144, %add3A_147 : vector<16xi32>
    %get3A_149 = arith.constant 128 : index
    %get3A_150 = tpu.vector_load %arg5[%get3A_149] {strides = array<i32>} : memref<512xi32, #tpu.memory_space<vmem>>, vector<16xi32>,
    %get3A_151 = vector.shape_cast %get3A_150 : vector<16xi32> to vector<16xi32>
    %mul3A_152 = arith.constant 1000 : i32
    %mul3A_153 = vector.broadcast %mul3A_152 : i32 to vector<16xi32>
    %mul3A_154 = arith.muli %add3A_148, %mul3A_153 : vector<16xi32>
    %add3A_155 = arith.addi %mul3A_154, %get3A_151 : vector<16xi32>
    %swap3A_156 = arith.constant 1 : i32
    %swap3A_157 = arith.index_cast %swap3A_156 : i32 to index
    %swap3A_158 = arith.constant 0 : index
    %swap3A_159 = tpu.vector_load %arg6[%swap3A_157, %swap3A_158] {strides = array<i32>} : memref<4x128xi32, #tpu.memory_space<vmem>>, vector<1x16xi32>,
    %swap3A_160 = vector.shape_cast %swap3A_159 : vector<1x16xi32> to vector<16xi32>
    %swap3A_161 = vector.shape_cast %add3A_155 : vector<16xi32> to vector<1x16xi32>
    tpu.vector_store %arg6[%swap3A_157, %swap3A_158], %swap3A_161 {strides = array<i32>} : memref<4x128xi32, #tpu.memory_space<vmem>>, vector<1x16xi32>,
    %iota3A_162 = tpu.iota {dimensions = array<i32: 0>} : vector<16xi32>
    %add3A_163 = arith.constant 144 : i32
    %add3A_164 = arith.addi %mul3A_2, %add3A_163 : i32
    %add3A_165 = vector.broadcast %add3A_164 : i32 to vector<16xi32>
    %add3A_166 = arith.addi %iota3A_162, %add3A_165 : vector<16xi32>
    %get3A_167 = arith.constant 144 : index
    %get3A_168 = tpu.vector_load %arg5[%get3A_167] {strides = array<i32>} : memref<512xi32, #tpu.memory_space<vmem>>, vector<16xi32>,
    %get3A_169 = vector.shape_cast %get3A_168 : vector<16xi32> to vector<16xi32>
    %mul3A_170 = arith.constant 1000 : i32
    %mul3A_171 = vector.broadcast %mul3A_170 : i32 to vector<16xi32>
    %mul3A_172 = arith.muli %add3A_166, %mul3A_171 : vector<16xi32>
    %add3A_173 = arith.addi %mul3A_172, %get3A_169 : vector<16xi32>
    %swap3A_174 = arith.constant 1 : i32
    %swap3A_175 = arith.index_cast %swap3A_174 : i32 to index
    %swap3A_176 = arith.constant 16 : index
    %swap3A_177 = tpu.vector_load %arg6[%swap3A_175, %swap3A_176] {strides = array<i32>} : memref<4x128xi32, #tpu.memory_space<vmem>>, vector<1x16xi32>,
    %swap3A_178 = vector.shape_cast %swap3A_177 : vector<1x16xi32> to vector<16xi32>
    %swap3A_179 = vector.shape_cast %add3A_173 : vector<16xi32> to vector<1x16xi32>
    tpu.vector_store %arg6[%swap3A_175, %swap3A_176], %swap3A_179 {strides = array<i32>} : memref<4x128xi32, #tpu.memory_space<vmem>>, vector<1x16xi32>,
    %iota3A_180 = tpu.iota {dimensions = array<i32: 0>} : vector<16xi32>
    %add3A_181 = arith.constant 160 : i32
    %add3A_182 = arith.addi %mul3A_2, %add3A_181 : i32
    %add3A_183 = vector.broadcast %add3A_182 : i32 to vector<16xi32>
    %add3A_184 = arith.addi %iota3A_180, %add3A_183 : vector<16xi32>
    %get3A_185 = arith.constant 160 : index
    %get3A_186 = tpu.vector_load %arg5[%get3A_185] {strides = array<i32>} : memref<512xi32, #tpu.memory_space<vmem>>, vector<16xi32>,
    %get3A_187 = vector.shape_cast %get3A_186 : vector<16xi32> to vector<16xi32>
    %mul3A_188 = arith.constant 1000 : i32
    %mul3A_189 = vector.broadcast %mul3A_188 : i32 to vector<16xi32>
    %mul3A_190 = arith.muli %add3A_184, %mul3A_189 : vector<16xi32>
    %add3A_191 = arith.addi %mul3A_190, %get3A_187 : vector<16xi32>
    %swap3A_192 = arith.constant 1 : i32
    %swap3A_193 = arith.index_cast %swap3A_192 : i32 to index
    %swap3A_194 = arith.constant 32 : index
    %swap3A_195 = tpu.vector_load %arg6[%swap3A_193, %swap3A_194] {strides = array<i32>} : memref<4x128xi32, #tpu.memory_space<vmem>>, vector<1x16xi32>,
    %swap3A_196 = vector.shape_cast %swap3A_195 : vector<1x16xi32> to vector<16xi32>
    %swap3A_197 = vector.shape_cast %add3A_191 : vector<16xi32> to vector<1x16xi32>
    tpu.vector_store %arg6[%swap3A_193, %swap3A_194], %swap3A_197 {strides = array<i32>} : memref<4x128xi32, #tpu.memory_space<vmem>>, vector<1x16xi32>,
    %iota3A_198 = tpu.iota {dimensions = array<i32: 0>} : vector<16xi32>
    %add3A_199 = arith.constant 176 : i32
    %add3A_200 = arith.addi %mul3A_2, %add3A_199 : i32
    %add3A_201 = vector.broadcast %add3A_200 : i32 to vector<16xi32>
    %add3A_202 = arith.addi %iota3A_198, %add3A_201 : vector<16xi32>
    %get3A_203 = arith.constant 176 : index
    %get3A_204 = tpu.vector_load %arg5[%get3A_203] {strides = array<i32>} : memref<512xi32, #tpu.memory_space<vmem>>, vector<16xi32>,
    %get3A_205 = vector.shape_cast %get3A_204 : vector<16xi32> to vector<16xi32>
    %mul3A_206 = arith.constant 1000 : i32
    %mul3A_207 = vector.broadcast %mul3A_206 : i32 to vector<16xi32>
    %mul3A_208 = arith.muli %add3A_202, %mul3A_207 : vector<16xi32>
    %add3A_209 = arith.addi %mul3A_208, %get3A_205 : vector<16xi32>
    %swap3A_210 = arith.constant 1 : i32
    %swap3A_211 = arith.index_cast %swap3A_210 : i32 to index
    %swap3A_212 = arith.constant 48 : index
    %swap3A_213 = tpu.vector_load %arg6[%swap3A_211, %swap3A_212] {strides = array<i32>} : memref<4x128xi32, #tpu.memory_space<vmem>>, vector<1x16xi32>,
    %swap3A_214 = vector.shape_cast %swap3A_213 : vector<1x16xi32> to vector<16xi32>
    %swap3A_215 = vector.shape_cast %add3A_209 : vector<16xi32> to vector<1x16xi32>
    tpu.vector_store %arg6[%swap3A_211, %swap3A_212], %swap3A_215 {strides = array<i32>} : memref<4x128xi32, #tpu.memory_space<vmem>>, vector<1x16xi32>,
    %iota3A_216 = tpu.iota {dimensions = array<i32: 0>} : vector<16xi32>
    %add3A_217 = arith.constant 192 : i32
    %add3A_218 = arith.addi %mul3A_2, %add3A_217 : i32
    %add3A_219 = vector.broadcast %add3A_218 : i32 to vector<16xi32>
    %add3A_220 = arith.addi %iota3A_216, %add3A_219 : vector<16xi32>
    %get3A_221 = arith.constant 192 : index
    %get3A_222 = tpu.vector_load %arg5[%get3A_221] {strides = array<i32>} : memref<512xi32, #tpu.memory_space<vmem>>, vector<16xi32>,
    %get3A_223 = vector.shape_cast %get3A_222 : vector<16xi32> to vector<16xi32>
    %mul3A_224 = arith.constant 1000 : i32
    %mul3A_225 = vector.broadcast %mul3A_224 : i32 to vector<16xi32>
    %mul3A_226 = arith.muli %add3A_220, %mul3A_225 : vector<16xi32>
    %add3A_227 = arith.addi %mul3A_226, %get3A_223 : vector<16xi32>
    %swap3A_228 = arith.constant 1 : i32
    %swap3A_229 = arith.index_cast %swap3A_228 : i32 to index
    %swap3A_230 = arith.constant 64 : index
    %swap3A_231 = tpu.vector_load %arg6[%swap3A_229, %swap3A_230] {strides = array<i32>} : memref<4x128xi32, #tpu.memory_space<vmem>>, vector<1x16xi32>,
    %swap3A_232 = vector.shape_cast %swap3A_231 : vector<1x16xi32> to vector<16xi32>
    %swap3A_233 = vector.shape_cast %add3A_227 : vector<16xi32> to vector<1x16xi32>
    tpu.vector_store %arg6[%swap3A_229, %swap3A_230], %swap3A_233 {strides = array<i32>} : memref<4x128xi32, #tpu.memory_space<vmem>>, vector<1x16xi32>,
    %iota3A_234 = tpu.iota {dimensions = array<i32: 0>} : vector<16xi32>
    %add3A_235 = arith.constant 208 : i32
    %add3A_236 = arith.addi %mul3A_2, %add3A_235 : i32
    %add3A_237 = vector.broadcast %add3A_236 : i32 to vector<16xi32>
    %add3A_238 = arith.addi %iota3A_234, %add3A_237 : vector<16xi32>
    %get3A_239 = arith.constant 208 : index
    %get3A_240 = tpu.vector_load %arg5[%get3A_239] {strides = array<i32>} : memref<512xi32, #tpu.memory_space<vmem>>, vector<16xi32>,
    %get3A_241 = vector.shape_cast %get3A_240 : vector<16xi32> to vector<16xi32>
    %mul3A_242 = arith.constant 1000 : i32
    %mul3A_243 = vector.broadcast %mul3A_242 : i32 to vector<16xi32>
    %mul3A_244 = arith.muli %add3A_238, %mul3A_243 : vector<16xi32>
    %add3A_245 = arith.addi %mul3A_244, %get3A_241 : vector<16xi32>
    %swap3A_246 = arith.constant 1 : i32
    %swap3A_247 = arith.index_cast %swap3A_246 : i32 to index
    %swap3A_248 = arith.constant 80 : index
    %swap3A_249 = tpu.vector_load %arg6[%swap3A_247, %swap3A_248] {strides = array<i32>} : memref<4x128xi32, #tpu.memory_space<vmem>>, vector<1x16xi32>,
    %swap3A_250 = vector.shape_cast %swap3A_249 : vector<1x16xi32> to vector<16xi32>
    %swap3A_251 = vector.shape_cast %add3A_245 : vector<16xi32> to vector<1x16xi32>
    tpu.vector_store %arg6[%swap3A_247, %swap3A_248], %swap3A_251 {strides = array<i32>} : memref<4x128xi32, #tpu.memory_space<vmem>>, vector<1x16xi32>,
    %iota3A_252 = tpu.iota {dimensions = array<i32: 0>} : vector<16xi32>
    %add3A_253 = arith.constant 224 : i32
    %add3A_254 = arith.addi %mul3A_2, %add3A_253 : i32
    %add3A_255 = vector.broadcast %add3A_254 : i32 to vector<16xi32>
    %add3A_256 = arith.addi %iota3A_252, %add3A_255 : vector<16xi32>
    %get3A_257 = arith.constant 224 : index
    %get3A_258 = tpu.vector_load %arg5[%get3A_257] {strides = array<i32>} : memref<512xi32, #tpu.memory_space<vmem>>, vector<16xi32>,
    %get3A_259 = vector.shape_cast %get3A_258 : vector<16xi32> to vector<16xi32>
    %mul3A_260 = arith.constant 1000 : i32
    %mul3A_261 = vector.broadcast %mul3A_260 : i32 to vector<16xi32>
    %mul3A_262 = arith.muli %add3A_256, %mul3A_261 : vector<16xi32>
    %add3A_263 = arith.addi %mul3A_262, %get3A_259 : vector<16xi32>
    %swap3A_264 = arith.constant 1 : i32
    %swap3A_265 = arith.index_cast %swap3A_264 : i32 to index
    %swap3A_266 = arith.constant 96 : index
    %swap3A_267 = tpu.vector_load %arg6[%swap3A_265, %swap3A_266] {strides = array<i32>} : memref<4x128xi32, #tpu.memory_space<vmem>>, vector<1x16xi32>,
    %swap3A_268 = vector.shape_cast %swap3A_267 : vector<1x16xi32> to vector<16xi32>
    %swap3A_269 = vector.shape_cast %add3A_263 : vector<16xi32> to vector<1x16xi32>
    tpu.vector_store %arg6[%swap3A_265, %swap3A_266], %swap3A_269 {strides = array<i32>} : memref<4x128xi32, #tpu.memory_space<vmem>>, vector<1x16xi32>,
    %iota3A_270 = tpu.iota {dimensions = array<i32: 0>} : vector<16xi32>
    %add3A_271 = arith.constant 240 : i32
    %add3A_272 = arith.addi %mul3A_2, %add3A_271 : i32
    %add3A_273 = vector.broadcast %add3A_272 : i32 to vector<16xi32>
    %add3A_274 = arith.addi %iota3A_270, %add3A_273 : vector<16xi32>
    %get3A_275 = arith.constant 240 : index
    %get3A_276 = tpu.vector_load %arg5[%get3A_275] {strides = array<i32>} : memref<512xi32, #tpu.memory_space<vmem>>, vector<16xi32>,
    %get3A_277 = vector.shape_cast %get3A_276 : vector<16xi32> to vector<16xi32>
    %mul3A_278 = arith.constant 1000 : i32
    %mul3A_279 = vector.broadcast %mul3A_278 : i32 to vector<16xi32>
    %mul3A_280 = arith.muli %add3A_274, %mul3A_279 : vector<16xi32>
    %add3A_281 = arith.addi %mul3A_280, %get3A_277 : vector<16xi32>
    %swap3A_282 = arith.constant 1 : i32
    %swap3A_283 = arith.index_cast %swap3A_282 : i32 to index
    %swap3A_284 = arith.constant 112 : index
    %swap3A_285 = tpu.vector_load %arg6[%swap3A_283, %swap3A_284] {strides = array<i32>} : memref<4x128xi32, #tpu.memory_space<vmem>>, vector<1x16xi32>,
    %swap3A_286 = vector.shape_cast %swap3A_285 : vector<1x16xi32> to vector<16xi32>
    %swap3A_287 = vector.shape_cast %add3A_281 : vector<16xi32> to vector<1x16xi32>
    tpu.vector_store %arg6[%swap3A_283, %swap3A_284], %swap3A_287 {strides = array<i32>} : memref<4x128xi32, #tpu.memory_space<vmem>>, vector<1x16xi32>,
    %iota3A_288 = tpu.iota {dimensions = array<i32: 0>} : vector<16xi32>
    %add3A_289 = arith.constant 256 : i32
    %add3A_290 = arith.addi %mul3A_2, %add3A_289 : i32
    %add3A_291 = vector.broadcast %add3A_290 : i32 to vector<16xi32>
    %add3A_292 = arith.addi %iota3A_288, %add3A_291 : vector<16xi32>
    %get3A_293 = arith.constant 256 : index
    %get3A_294 = tpu.vector_load %arg5[%get3A_293] {strides = array<i32>} : memref<512xi32, #tpu.memory_space<vmem>>, vector<16xi32>,
    %get3A_295 = vector.shape_cast %get3A_294 : vector<16xi32> to vector<16xi32>
    %mul3A_296 = arith.constant 1000 : i32
    %mul3A_297 = vector.broadcast %mul3A_296 : i32 to vector<16xi32>
    %mul3A_298 = arith.muli %add3A_292, %mul3A_297 : vector<16xi32>
    %add3A_299 = arith.addi %mul3A_298, %get3A_295 : vector<16xi32>
    %swap3A_300 = arith.constant 2 : i32
    %swap3A_301 = arith.index_cast %swap3A_300 : i32 to index
    %swap3A_302 = arith.constant 0 : index
    %swap3A_303 = tpu.vector_load %arg6[%swap3A_301, %swap3A_302] {strides = array<i32>} : memref<4x128xi32, #tpu.memory_space<vmem>>, vector<1x16xi32>,
    %swap3A_304 = vector.shape_cast %swap3A_303 : vector<1x16xi32> to vector<16xi32>
    %swap3A_305 = vector.shape_cast %add3A_299 : vector<16xi32> to vector<1x16xi32>
    tpu.vector_store %arg6[%swap3A_301, %swap3A_302], %swap3A_305 {strides = array<i32>} : memref<4x128xi32, #tpu.memory_space<vmem>>, vector<1x16xi32>,
    %iota3A_306 = tpu.iota {dimensions = array<i32: 0>} : vector<16xi32>
    %add3A_307 = arith.constant 272 : i32
    %add3A_308 = arith.addi %mul3A_2, %add3A_307 : i32
    %add3A_309 = vector.broadcast %add3A_308 : i32 to vector<16xi32>
    %add3A_310 = arith.addi %iota3A_306, %add3A_309 : vector<16xi32>
    %get3A_311 = arith.constant 272 : index
    %get3A_312 = tpu.vector_load %arg5[%get3A_311] {strides = array<i32>} : memref<512xi32, #tpu.memory_space<vmem>>, vector<16xi32>,
    %get3A_313 = vector.shape_cast %get3A_312 : vector<16xi32> to vector<16xi32>
    %mul3A_314 = arith.constant 1000 : i32
    %mul3A_315 = vector.broadcast %mul3A_314 : i32 to vector<16xi32>
    %mul3A_316 = arith.muli %add3A_310, %mul3A_315 : vector<16xi32>
    %add3A_317 = arith.addi %mul3A_316, %get3A_313 : vector<16xi32>
    %swap3A_318 = arith.constant 2 : i32
    %swap3A_319 = arith.index_cast %swap3A_318 : i32 to index
    %swap3A_320 = arith.constant 16 : index
    %swap3A_321 = tpu.vector_load %arg6[%swap3A_319, %swap3A_320] {strides = array<i32>} : memref<4x128xi32, #tpu.memory_space<vmem>>, vector<1x16xi32>,
    %swap3A_322 = vector.shape_cast %swap3A_321 : vector<1x16xi32> to vector<16xi32>
    %swap3A_323 = vector.shape_cast %add3A_317 : vector<16xi32> to vector<1x16xi32>
    tpu.vector_store %arg6[%swap3A_319, %swap3A_320], %swap3A_323 {strides = array<i32>} : memref<4x128xi32, #tpu.memory_space<vmem>>, vector<1x16xi32>,
    %iota3A_324 = tpu.iota {dimensions = array<i32: 0>} : vector<16xi32>
    %add3A_325 = arith.constant 288 : i32
    %add3A_326 = arith.addi %mul3A_2, %add3A_325 : i32
    %add3A_327 = vector.broadcast %add3A_326 : i32 to vector<16xi32>
    %add3A_328 = arith.addi %iota3A_324, %add3A_327 : vector<16xi32>
    %get3A_329 = arith.constant 288 : index
    %get3A_330 = tpu.vector_load %arg5[%get3A_329] {strides = array<i32>} : memref<512xi32, #tpu.memory_space<vmem>>, vector<16xi32>,
    %get3A_331 = vector.shape_cast %get3A_330 : vector<16xi32> to vector<16xi32>
    %mul3A_332 = arith.constant 1000 : i32
    %mul3A_333 = vector.broadcast %mul3A_332 : i32 to vector<16xi32>
    %mul3A_334 = arith.muli %add3A_328, %mul3A_333 : vector<16xi32>
    %add3A_335 = arith.addi %mul3A_334, %get3A_331 : vector<16xi32>
    %swap3A_336 = arith.constant 2 : i32
    %swap3A_337 = arith.index_cast %swap3A_336 : i32 to index
    %swap3A_338 = arith.constant 32 : index
    %swap3A_339 = tpu.vector_load %arg6[%swap3A_337, %swap3A_338] {strides = array<i32>} : memref<4x128xi32, #tpu.memory_space<vmem>>, vector<1x16xi32>,
    %swap3A_340 = vector.shape_cast %swap3A_339 : vector<1x16xi32> to vector<16xi32>
    %swap3A_341 = vector.shape_cast %add3A_335 : vector<16xi32> to vector<1x16xi32>
    tpu.vector_store %arg6[%swap3A_337, %swap3A_338], %swap3A_341 {strides = array<i32>} : memref<4x128xi32, #tpu.memory_space<vmem>>, vector<1x16xi32>,
    %iota3A_342 = tpu.iota {dimensions = array<i32: 0>} : vector<16xi32>
    %add3A_343 = arith.constant 304 : i32
    %add3A_344 = arith.addi %mul3A_2, %add3A_343 : i32
    %add3A_345 = vector.broadcast %add3A_344 : i32 to vector<16xi32>
    %add3A_346 = arith.addi %iota3A_342, %add3A_345 : vector<16xi32>
    %get3A_347 = arith.constant 304 : index
    %get3A_348 = tpu.vector_load %arg5[%get3A_347] {strides = array<i32>} : memref<512xi32, #tpu.memory_space<vmem>>, vector<16xi32>,
    %get3A_349 = vector.shape_cast %get3A_348 : vector<16xi32> to vector<16xi32>
    %mul3A_350 = arith.constant 1000 : i32
    %mul3A_351 = vector.broadcast %mul3A_350 : i32 to vector<16xi32>
    %mul3A_352 = arith.muli %add3A_346, %mul3A_351 : vector<16xi32>
    %add3A_353 = arith.addi %mul3A_352, %get3A_349 : vector<16xi32>
    %swap3A_354 = arith.constant 2 : i32
    %swap3A_355 = arith.index_cast %swap3A_354 : i32 to index
    %swap3A_356 = arith.constant 48 : index
    %swap3A_357 = tpu.vector_load %arg6[%swap3A_355, %swap3A_356] {strides = array<i32>} : memref<4x128xi32, #tpu.memory_space<vmem>>, vector<1x16xi32>,
    %swap3A_358 = vector.shape_cast %swap3A_357 : vector<1x16xi32> to vector<16xi32>
    %swap3A_359 = vector.shape_cast %add3A_353 : vector<16xi32> to vector<1x16xi32>
    tpu.vector_store %arg6[%swap3A_355, %swap3A_356], %swap3A_359 {strides = array<i32>} : memref<4x128xi32, #tpu.memory_space<vmem>>, vector<1x16xi32>,
    %iota3A_360 = tpu.iota {dimensions = array<i32: 0>} : vector<16xi32>
    %add3A_361 = arith.constant 320 : i32
    %add3A_362 = arith.addi %mul3A_2, %add3A_361 : i32
    %add3A_363 = vector.broadcast %add3A_362 : i32 to vector<16xi32>
    %add3A_364 = arith.addi %iota3A_360, %add3A_363 : vector<16xi32>
    %get3A_365 = arith.constant 320 : index
    %get3A_366 = tpu.vector_load %arg5[%get3A_365] {strides = array<i32>} : memref<512xi32, #tpu.memory_space<vmem>>, vector<16xi32>,
    %get3A_367 = vector.shape_cast %get3A_366 : vector<16xi32> to vector<16xi32>
    %mul3A_368 = arith.constant 1000 : i32
    %mul3A_369 = vector.broadcast %mul3A_368 : i32 to vector<16xi32>
    %mul3A_370 = arith.muli %add3A_364, %mul3A_369 : vector<16xi32>
    %add3A_371 = arith.addi %mul3A_370, %get3A_367 : vector<16xi32>
    %swap3A_372 = arith.constant 2 : i32
    %swap3A_373 = arith.index_cast %swap3A_372 : i32 to index
    %swap3A_374 = arith.constant 64 : index
    %swap3A_375 = tpu.vector_load %arg6[%swap3A_373, %swap3A_374] {strides = array<i32>} : memref<4x128xi32, #tpu.memory_space<vmem>>, vector<1x16xi32>,
    %swap3A_376 = vector.shape_cast %swap3A_375 : vector<1x16xi32> to vector<16xi32>
    %swap3A_377 = vector.shape_cast %add3A_371 : vector<16xi32> to vector<1x16xi32>
    tpu.vector_store %arg6[%swap3A_373, %swap3A_374], %swap3A_377 {strides = array<i32>} : memref<4x128xi32, #tpu.memory_space<vmem>>, vector<1x16xi32>,
    %iota3A_378 = tpu.iota {dimensions = array<i32: 0>} : vector<16xi32>
    %add3A_379 = arith.constant 336 : i32
    %add3A_380 = arith.addi %mul3A_2, %add3A_379 : i32
    %add3A_381 = vector.broadcast %add3A_380 : i32 to vector<16xi32>
    %add3A_382 = arith.addi %iota3A_378, %add3A_381 : vector<16xi32>
    %get3A_383 = arith.constant 336 : index
    %get3A_384 = tpu.vector_load %arg5[%get3A_383] {strides = array<i32>} : memref<512xi32, #tpu.memory_space<vmem>>, vector<16xi32>,
    %get3A_385 = vector.shape_cast %get3A_384 : vector<16xi32> to vector<16xi32>
    %mul3A_386 = arith.constant 1000 : i32
    %mul3A_387 = vector.broadcast %mul3A_386 : i32 to vector<16xi32>
    %mul3A_388 = arith.muli %add3A_382, %mul3A_387 : vector<16xi32>
    %add3A_389 = arith.addi %mul3A_388, %get3A_385 : vector<16xi32>
    %swap3A_390 = arith.constant 2 : i32
    %swap3A_391 = arith.index_cast %swap3A_390 : i32 to index
    %swap3A_392 = arith.constant 80 : index
    %swap3A_393 = tpu.vector_load %arg6[%swap3A_391, %swap3A_392] {strides = array<i32>} : memref<4x128xi32, #tpu.memory_space<vmem>>, vector<1x16xi32>,
    %swap3A_394 = vector.shape_cast %swap3A_393 : vector<1x16xi32> to vector<16xi32>
    %swap3A_395 = vector.shape_cast %add3A_389 : vector<16xi32> to vector<1x16xi32>
    tpu.vector_store %arg6[%swap3A_391, %swap3A_392], %swap3A_395 {strides = array<i32>} : memref<4x128xi32, #tpu.memory_space<vmem>>, vector<1x16xi32>,
    %iota3A_396 = tpu.iota {dimensions = array<i32: 0>} : vector<16xi32>
    %add3A_397 = arith.constant 352 : i32
    %add3A_398 = arith.addi %mul3A_2, %add3A_397 : i32
    %add3A_399 = vector.broadcast %add3A_398 : i32 to vector<16xi32>
    %add3A_400 = arith.addi %iota3A_396, %add3A_399 : vector<16xi32>
    %get3A_401 = arith.constant 352 : index
    %get3A_402 = tpu.vector_load %arg5[%get3A_401] {strides = array<i32>} : memref<512xi32, #tpu.memory_space<vmem>>, vector<16xi32>,
    %get3A_403 = vector.shape_cast %get3A_402 : vector<16xi32> to vector<16xi32>
    %mul3A_404 = arith.constant 1000 : i32
    %mul3A_405 = vector.broadcast %mul3A_404 : i32 to vector<16xi32>
    %mul3A_406 = arith.muli %add3A_400, %mul3A_405 : vector<16xi32>
    %add3A_407 = arith.addi %mul3A_406, %get3A_403 : vector<16xi32>
    %swap3A_408 = arith.constant 2 : i32
    %swap3A_409 = arith.index_cast %swap3A_408 : i32 to index
    %swap3A_410 = arith.constant 96 : index
    %swap3A_411 = tpu.vector_load %arg6[%swap3A_409, %swap3A_410] {strides = array<i32>} : memref<4x128xi32, #tpu.memory_space<vmem>>, vector<1x16xi32>,
    %swap3A_412 = vector.shape_cast %swap3A_411 : vector<1x16xi32> to vector<16xi32>
    %swap3A_413 = vector.shape_cast %add3A_407 : vector<16xi32> to vector<1x16xi32>
    tpu.vector_store %arg6[%swap3A_409, %swap3A_410], %swap3A_413 {strides = array<i32>} : memref<4x128xi32, #tpu.memory_space<vmem>>, vector<1x16xi32>,
    %iota3A_414 = tpu.iota {dimensions = array<i32: 0>} : vector<16xi32>
    %add3A_415 = arith.constant 368 : i32
    %add3A_416 = arith.addi %mul3A_2, %add3A_415 : i32
    %add3A_417 = vector.broadcast %add3A_416 : i32 to vector<16xi32>
    %add3A_418 = arith.addi %iota3A_414, %add3A_417 : vector<16xi32>
    %get3A_419 = arith.constant 368 : index
    %get3A_420 = tpu.vector_load %arg5[%get3A_419] {strides = array<i32>} : memref<512xi32, #tpu.memory_space<vmem>>, vector<16xi32>,
    %get3A_421 = vector.shape_cast %get3A_420 : vector<16xi32> to vector<16xi32>
    %mul3A_422 = arith.constant 1000 : i32
    %mul3A_423 = vector.broadcast %mul3A_422 : i32 to vector<16xi32>
    %mul3A_424 = arith.muli %add3A_418, %mul3A_423 : vector<16xi32>
    %add3A_425 = arith.addi %mul3A_424, %get3A_421 : vector<16xi32>
    %swap3A_426 = arith.constant 2 : i32
    %swap3A_427 = arith.index_cast %swap3A_426 : i32 to index
    %swap3A_428 = arith.constant 112 : index
    %swap3A_429 = tpu.vector_load %arg6[%swap3A_427, %swap3A_428] {strides = array<i32>} : memref<4x128xi32, #tpu.memory_space<vmem>>, vector<1x16xi32>,
    %swap3A_430 = vector.shape_cast %swap3A_429 : vector<1x16xi32> to vector<16xi32>
    %swap3A_431 = vector.shape_cast %add3A_425 : vector<16xi32> to vector<1x16xi32>
    tpu.vector_store %arg6[%swap3A_427, %swap3A_428], %swap3A_431 {strides = array<i32>} : memref<4x128xi32, #tpu.memory_space<vmem>>, vector<1x16xi32>,
    %iota3A_432 = tpu.iota {dimensions = array<i32: 0>} : vector<16xi32>
    %add3A_433 = arith.constant 384 : i32
    %add3A_434 = arith.addi %mul3A_2, %add3A_433 : i32
    %add3A_435 = vector.broadcast %add3A_434 : i32 to vector<16xi32>
    %add3A_436 = arith.addi %iota3A_432, %add3A_435 : vector<16xi32>
    %get3A_437 = arith.constant 384 : index
    %get3A_438 = tpu.vector_load %arg5[%get3A_437] {strides = array<i32>} : memref<512xi32, #tpu.memory_space<vmem>>, vector<16xi32>,
    %get3A_439 = vector.shape_cast %get3A_438 : vector<16xi32> to vector<16xi32>
    %mul3A_440 = arith.constant 1000 : i32
    %mul3A_441 = vector.broadcast %mul3A_440 : i32 to vector<16xi32>
    %mul3A_442 = arith.muli %add3A_436, %mul3A_441 : vector<16xi32>
    %add3A_443 = arith.addi %mul3A_442, %get3A_439 : vector<16xi32>
    %swap3A_444 = arith.constant 3 : i32
    %swap3A_445 = arith.index_cast %swap3A_444 : i32 to index
    %swap3A_446 = arith.constant 0 : index
    %swap3A_447 = tpu.vector_load %arg6[%swap3A_445, %swap3A_446] {strides = array<i32>} : memref<4x128xi32, #tpu.memory_space<vmem>>, vector<1x16xi32>,
    %swap3A_448 = vector.shape_cast %swap3A_447 : vector<1x16xi32> to vector<16xi32>
    %swap3A_449 = vector.shape_cast %add3A_443 : vector<16xi32> to vector<1x16xi32>
    tpu.vector_store %arg6[%swap3A_445, %swap3A_446], %swap3A_449 {strides = array<i32>} : memref<4x128xi32, #tpu.memory_space<vmem>>, vector<1x16xi32>,
    %iota3A_450 = tpu.iota {dimensions = array<i32: 0>} : vector<16xi32>
    %add3A_451 = arith.constant 400 : i32
    %add3A_452 = arith.addi %mul3A_2, %add3A_451 : i32
    %add3A_453 = vector.broadcast %add3A_452 : i32 to vector<16xi32>
    %add3A_454 = arith.addi %iota3A_450, %add3A_453 : vector<16xi32>
    %get3A_455 = arith.constant 400 : index
    %get3A_456 = tpu.vector_load %arg5[%get3A_455] {strides = array<i32>} : memref<512xi32, #tpu.memory_space<vmem>>, vector<16xi32>,
    %get3A_457 = vector.shape_cast %get3A_456 : vector<16xi32> to vector<16xi32>
    %mul3A_458 = arith.constant 1000 : i32
    %mul3A_459 = vector.broadcast %mul3A_458 : i32 to vector<16xi32>
    %mul3A_460 = arith.muli %add3A_454, %mul3A_459 : vector<16xi32>
    %add3A_461 = arith.addi %mul3A_460, %get3A_457 : vector<16xi32>
    %swap3A_462 = arith.constant 3 : i32
    %swap3A_463 = arith.index_cast %swap3A_462 : i32 to index
    %swap3A_464 = arith.constant 16 : index
    %swap3A_465 = tpu.vector_load %arg6[%swap3A_463, %swap3A_464] {strides = array<i32>} : memref<4x128xi32, #tpu.memory_space<vmem>>, vector<1x16xi32>,
    %swap3A_466 = vector.shape_cast %swap3A_465 : vector<1x16xi32> to vector<16xi32>
    %swap3A_467 = vector.shape_cast %add3A_461 : vector<16xi32> to vector<1x16xi32>
    tpu.vector_store %arg6[%swap3A_463, %swap3A_464], %swap3A_467 {strides = array<i32>} : memref<4x128xi32, #tpu.memory_space<vmem>>, vector<1x16xi32>,
    %iota3A_468 = tpu.iota {dimensions = array<i32: 0>} : vector<16xi32>
    %add3A_469 = arith.constant 416 : i32
    %add3A_470 = arith.addi %mul3A_2, %add3A_469 : i32
    %add3A_471 = vector.broadcast %add3A_470 : i32 to vector<16xi32>
    %add3A_472 = arith.addi %iota3A_468, %add3A_471 : vector<16xi32>
    %get3A_473 = arith.constant 416 : index
    %get3A_474 = tpu.vector_load %arg5[%get3A_473] {strides = array<i32>} : memref<512xi32, #tpu.memory_space<vmem>>, vector<16xi32>,
    %get3A_475 = vector.shape_cast %get3A_474 : vector<16xi32> to vector<16xi32>
    %mul3A_476 = arith.constant 1000 : i32
    %mul3A_477 = vector.broadcast %mul3A_476 : i32 to vector<16xi32>
    %mul3A_478 = arith.muli %add3A_472, %mul3A_477 : vector<16xi32>
    %add3A_479 = arith.addi %mul3A_478, %get3A_475 : vector<16xi32>
    %swap3A_480 = arith.constant 3 : i32
    %swap3A_481 = arith.index_cast %swap3A_480 : i32 to index
    %swap3A_482 = arith.constant 32 : index
    %swap3A_483 = tpu.vector_load %arg6[%swap3A_481, %swap3A_482] {strides = array<i32>} : memref<4x128xi32, #tpu.memory_space<vmem>>, vector<1x16xi32>,
    %swap3A_484 = vector.shape_cast %swap3A_483 : vector<1x16xi32> to vector<16xi32>
    %swap3A_485 = vector.shape_cast %add3A_479 : vector<16xi32> to vector<1x16xi32>
    tpu.vector_store %arg6[%swap3A_481, %swap3A_482], %swap3A_485 {strides = array<i32>} : memref<4x128xi32, #tpu.memory_space<vmem>>, vector<1x16xi32>,
    %iota3A_486 = tpu.iota {dimensions = array<i32: 0>} : vector<16xi32>
    %add3A_487 = arith.constant 432 : i32
    %add3A_488 = arith.addi %mul3A_2, %add3A_487 : i32
    %add3A_489 = vector.broadcast %add3A_488 : i32 to vector<16xi32>
    %add3A_490 = arith.addi %iota3A_486, %add3A_489 : vector<16xi32>
    %get3A_491 = arith.constant 432 : index
    %get3A_492 = tpu.vector_load %arg5[%get3A_491] {strides = array<i32>} : memref<512xi32, #tpu.memory_space<vmem>>, vector<16xi32>,
    %get3A_493 = vector.shape_cast %get3A_492 : vector<16xi32> to vector<16xi32>
    %mul3A_494 = arith.constant 1000 : i32
    %mul3A_495 = vector.broadcast %mul3A_494 : i32 to vector<16xi32>
    %mul3A_496 = arith.muli %add3A_490, %mul3A_495 : vector<16xi32>
    %add3A_497 = arith.addi %mul3A_496, %get3A_493 : vector<16xi32>
    %swap3A_498 = arith.constant 3 : i32
    %swap3A_499 = arith.index_cast %swap3A_498 : i32 to index
    %swap3A_500 = arith.constant 48 : index
    %swap3A_501 = tpu.vector_load %arg6[%swap3A_499, %swap3A_500] {strides = array<i32>} : memref<4x128xi32, #tpu.memory_space<vmem>>, vector<1x16xi32>,
    %swap3A_502 = vector.shape_cast %swap3A_501 : vector<1x16xi32> to vector<16xi32>
    %swap3A_503 = vector.shape_cast %add3A_497 : vector<16xi32> to vector<1x16xi32>
    tpu.vector_store %arg6[%swap3A_499, %swap3A_500], %swap3A_503 {strides = array<i32>} : memref<4x128xi32, #tpu.memory_space<vmem>>, vector<1x16xi32>,
    %iota3A_504 = tpu.iota {dimensions = array<i32: 0>} : vector<16xi32>
    %add3A_505 = arith.constant 448 : i32
    %add3A_506 = arith.addi %mul3A_2, %add3A_505 : i32
    %add3A_507 = vector.broadcast %add3A_506 : i32 to vector<16xi32>
    %add3A_508 = arith.addi %iota3A_504, %add3A_507 : vector<16xi32>
    %get3A_509 = arith.constant 448 : index
    %get3A_510 = tpu.vector_load %arg5[%get3A_509] {strides = array<i32>} : memref<512xi32, #tpu.memory_space<vmem>>, vector<16xi32>,
    %get3A_511 = vector.shape_cast %get3A_510 : vector<16xi32> to vector<16xi32>
    %mul3A_512 = arith.constant 1000 : i32
    %mul3A_513 = vector.broadcast %mul3A_512 : i32 to vector<16xi32>
    %mul3A_514 = arith.muli %add3A_508, %mul3A_513 : vector<16xi32>
    %add3A_515 = arith.addi %mul3A_514, %get3A_511 : vector<16xi32>
    %swap3A_516 = arith.constant 3 : i32
    %swap3A_517 = arith.index_cast %swap3A_516 : i32 to index
    %swap3A_518 = arith.constant 64 : index
    %swap3A_519 = tpu.vector_load %arg6[%swap3A_517, %swap3A_518] {strides = array<i32>} : memref<4x128xi32, #tpu.memory_space<vmem>>, vector<1x16xi32>,
    %swap3A_520 = vector.shape_cast %swap3A_519 : vector<1x16xi32> to vector<16xi32>
    %swap3A_521 = vector.shape_cast %add3A_515 : vector<16xi32> to vector<1x16xi32>
    tpu.vector_store %arg6[%swap3A_517, %swap3A_518], %swap3A_521 {strides = array<i32>} : memref<4x128xi32, #tpu.memory_space<vmem>>, vector<1x16xi32>,
    %iota3A_522 = tpu.iota {dimensions = array<i32: 0>} : vector<16xi32>
    %add3A_523 = arith.constant 464 : i32
    %add3A_524 = arith.addi %mul3A_2, %add3A_523 : i32
    %add3A_525 = vector.broadcast %add3A_524 : i32 to vector<16xi32>
    %add3A_526 = arith.addi %iota3A_522, %add3A_525 : vector<16xi32>
    %get3A_527 = arith.constant 464 : index
    %get3A_528 = tpu.vector_load %arg5[%get3A_527] {strides = array<i32>} : memref<512xi32, #tpu.memory_space<vmem>>, vector<16xi32>,
    %get3A_529 = vector.shape_cast %get3A_528 : vector<16xi32> to vector<16xi32>
    %mul3A_530 = arith.constant 1000 : i32
    %mul3A_531 = vector.broadcast %mul3A_530 : i32 to vector<16xi32>
    %mul3A_532 = arith.muli %add3A_526, %mul3A_531 : vector<16xi32>
    %add3A_533 = arith.addi %mul3A_532, %get3A_529 : vector<16xi32>
    %swap3A_534 = arith.constant 3 : i32
    %swap3A_535 = arith.index_cast %swap3A_534 : i32 to index
    %swap3A_536 = arith.constant 80 : index
    %swap3A_537 = tpu.vector_load %arg6[%swap3A_535, %swap3A_536] {strides = array<i32>} : memref<4x128xi32, #tpu.memory_space<vmem>>, vector<1x16xi32>,
    %swap3A_538 = vector.shape_cast %swap3A_537 : vector<1x16xi32> to vector<16xi32>
    %swap3A_539 = vector.shape_cast %add3A_533 : vector<16xi32> to vector<1x16xi32>
    tpu.vector_store %arg6[%swap3A_535, %swap3A_536], %swap3A_539 {strides = array<i32>} : memref<4x128xi32, #tpu.memory_space<vmem>>, vector<1x16xi32>,
    %iota3A_540 = tpu.iota {dimensions = array<i32: 0>} : vector<16xi32>
    %add3A_541 = arith.constant 480 : i32
    %add3A_542 = arith.addi %mul3A_2, %add3A_541 : i32
    %add3A_543 = vector.broadcast %add3A_542 : i32 to vector<16xi32>
    %add3A_544 = arith.addi %iota3A_540, %add3A_543 : vector<16xi32>
    %get3A_545 = arith.constant 480 : index
    %get3A_546 = tpu.vector_load %arg5[%get3A_545] {strides = array<i32>} : memref<512xi32, #tpu.memory_space<vmem>>, vector<16xi32>,
    %get3A_547 = vector.shape_cast %get3A_546 : vector<16xi32> to vector<16xi32>
    %mul3A_548 = arith.constant 1000 : i32
    %mul3A_549 = vector.broadcast %mul3A_548 : i32 to vector<16xi32>
    %mul3A_550 = arith.muli %add3A_544, %mul3A_549 : vector<16xi32>
    %add3A_551 = arith.addi %mul3A_550, %get3A_547 : vector<16xi32>
    %swap3A_552 = arith.constant 3 : i32
    %swap3A_553 = arith.index_cast %swap3A_552 : i32 to index
    %swap3A_554 = arith.constant 96 : index
    %swap3A_555 = tpu.vector_load %arg6[%swap3A_553, %swap3A_554] {strides = array<i32>} : memref<4x128xi32, #tpu.memory_space<vmem>>, vector<1x16xi32>,
    %swap3A_556 = vector.shape_cast %swap3A_555 : vector<1x16xi32> to vector<16xi32>
    %swap3A_557 = vector.shape_cast %add3A_551 : vector<16xi32> to vector<1x16xi32>
    tpu.vector_store %arg6[%swap3A_553, %swap3A_554], %swap3A_557 {strides = array<i32>} : memref<4x128xi32, #tpu.memory_space<vmem>>, vector<1x16xi32>,
    %iota3A_558 = tpu.iota {dimensions = array<i32: 0>} : vector<16xi32>
    %add3A_559 = arith.constant 496 : i32
    %add3A_560 = arith.addi %mul3A_2, %add3A_559 : i32
    %add3A_561 = vector.broadcast %add3A_560 : i32 to vector<16xi32>
    %add3A_562 = arith.addi %iota3A_558, %add3A_561 : vector<16xi32>
    %get3A_563 = arith.constant 496 : index
    %get3A_564 = tpu.vector_load %arg5[%get3A_563] {strides = array<i32>} : memref<512xi32, #tpu.memory_space<vmem>>, vector<16xi32>,
    %get3A_565 = vector.shape_cast %get3A_564 : vector<16xi32> to vector<16xi32>
    %mul3A_566 = arith.constant 1000 : i32
    %mul3A_567 = vector.broadcast %mul3A_566 : i32 to vector<16xi32>
    %mul3A_568 = arith.muli %add3A_562, %mul3A_567 : vector<16xi32>
    %add3A_569 = arith.addi %mul3A_568, %get3A_565 : vector<16xi32>
    %swap3A_570 = arith.constant 3 : i32
    %swap3A_571 = arith.index_cast %swap3A_570 : i32 to index
    %swap3A_572 = arith.constant 112 : index
    %swap3A_573 = tpu.vector_load %arg6[%swap3A_571, %swap3A_572] {strides = array<i32>} : memref<4x128xi32, #tpu.memory_space<vmem>>, vector<1x16xi32>,
    %swap3A_574 = vector.shape_cast %swap3A_573 : vector<1x16xi32> to vector<16xi32>
    %swap3A_575 = vector.shape_cast %add3A_569 : vector<16xi32> to vector<1x16xi32>
    tpu.vector_store %arg6[%swap3A_571, %swap3A_572], %swap3A_575 {strides = array<i32>} : memref<4x128xi32, #tpu.memory_space<vmem>>, vector<1x16xi32>,
    %dma_start3A = arith.constant 0 : i32
    %dma_start3A_576 = arith.constant 0 : i32
    %dma_start3A_577 = arith.constant 0 : i32
    %dma_start3A_578 = tpu.memref_slice %arg7[%dma_start3A_576, %dma_start3A_577] : memref<4x128xf32, #tpu.memory_space<vmem>> -> memref<1x128xf32, #tpu.memory_space<vmem>>
    %dma_start3A_579 = tpu.memref_squeeze %dma_start3A_578 : memref<1x128xf32, #tpu.memory_space<vmem>> -> memref<128xf32, #tpu.memory_space<vmem>>
    %dma_start3A_580 = arith.constant 0 : i32
    %dma_start3A_581 = tpu.memref_slice %arg6[%dma_start3A, %dma_start3A_580] : memref<4x128xi32, #tpu.memory_space<vmem>> -> memref<1x128xi32, #tpu.memory_space<vmem>>
    %dma_start3A_582 = tpu.memref_squeeze %dma_start3A_581 : memref<1x128xi32, #tpu.memory_space<vmem>> -> memref<128xi32, #tpu.memory_space<vmem>>
    %dma_start3A_583 = arith.constant 0 : i32
    %dma_start3A_584 = tpu.memref_slice %arg2[%dma_start3A_583] : memref<16384000xf32, #tpu.memory_space<hbm>> -> memref<16384000xf32, #tpu.memory_space<hbm>>
    tpu.enqueue_indirect_dma source(%dma_start3A_584 : memref<16384000xf32, #tpu.memory_space<hbm>>) target(%dma_start3A_579 : memref<128xf32, #tpu.memory_space<vmem>>) offsets(%dma_start3A_582 : memref<128xi32, #tpu.memory_space<vmem>>) semaphore(%arg8 : memref<!tpu.dma_semaphore, #tpu.memory_space<semaphore_mem>>)
    %dma_start3A_585 = arith.constant 1 : i32
    %dma_start3A_586 = arith.constant 1 : i32
    %dma_start3A_587 = arith.constant 0 : i32
    %dma_start3A_588 = tpu.memref_slice %arg7[%dma_start3A_586, %dma_start3A_587] : memref<4x128xf32, #tpu.memory_space<vmem>> -> memref<1x128xf32, #tpu.memory_space<vmem>>
    %dma_start3A_589 = tpu.memref_squeeze %dma_start3A_588 : memref<1x128xf32, #tpu.memory_space<vmem>> -> memref<128xf32, #tpu.memory_space<vmem>>
    %dma_start3A_590 = arith.constant 0 : i32
    %dma_start3A_591 = tpu.memref_slice %arg6[%dma_start3A_585, %dma_start3A_590] : memref<4x128xi32, #tpu.memory_space<vmem>> -> memref<1x128xi32, #tpu.memory_space<vmem>>
    %dma_start3A_592 = tpu.memref_squeeze %dma_start3A_591 : memref<1x128xi32, #tpu.memory_space<vmem>> -> memref<128xi32, #tpu.memory_space<vmem>>
    %dma_start3A_593 = arith.constant 0 : i32
    %dma_start3A_594 = tpu.memref_slice %arg2[%dma_start3A_593] : memref<16384000xf32, #tpu.memory_space<hbm>> -> memref<16384000xf32, #tpu.memory_space<hbm>>
    tpu.enqueue_indirect_dma source(%dma_start3A_594 : memref<16384000xf32, #tpu.memory_space<hbm>>) target(%dma_start3A_589 : memref<128xf32, #tpu.memory_space<vmem>>) offsets(%dma_start3A_592 : memref<128xi32, #tpu.memory_space<vmem>>) semaphore(%arg8 : memref<!tpu.dma_semaphore, #tpu.memory_space<semaphore_mem>>)
    %dma_start3A_595 = arith.constant 2 : i32
    %dma_start3A_596 = arith.constant 2 : i32
    %dma_start3A_597 = arith.constant 0 : i32
    %dma_start3A_598 = tpu.memref_slice %arg7[%dma_start3A_596, %dma_start3A_597] : memref<4x128xf32, #tpu.memory_space<vmem>> -> memref<1x128xf32, #tpu.memory_space<vmem>>
    %dma_start3A_599 = tpu.memref_squeeze %dma_start3A_598 : memref<1x128xf32, #tpu.memory_space<vmem>> -> memref<128xf32, #tpu.memory_space<vmem>>
    %dma_start3A_600 = arith.constant 0 : i32
    %dma_start3A_601 = tpu.memref_slice %arg6[%dma_start3A_595, %dma_start3A_600] : memref<4x128xi32, #tpu.memory_space<vmem>> -> memref<1x128xi32, #tpu.memory_space<vmem>>
    %dma_start3A_602 = tpu.memref_squeeze %dma_start3A_601 : memref<1x128xi32, #tpu.memory_space<vmem>> -> memref<128xi32, #tpu.memory_space<vmem>>
    %dma_start3A_603 = arith.constant 0 : i32
    %dma_start3A_604 = tpu.memref_slice %arg2[%dma_start3A_603] : memref<16384000xf32, #tpu.memory_space<hbm>> -> memref<16384000xf32, #tpu.memory_space<hbm>>
    tpu.enqueue_indirect_dma source(%dma_start3A_604 : memref<16384000xf32, #tpu.memory_space<hbm>>) target(%dma_start3A_599 : memref<128xf32, #tpu.memory_space<vmem>>) offsets(%dma_start3A_602 : memref<128xi32, #tpu.memory_space<vmem>>) semaphore(%arg8 : memref<!tpu.dma_semaphore, #tpu.memory_space<semaphore_mem>>)
    %dma_start3A_605 = arith.constant 3 : i32
    %dma_start3A_606 = arith.constant 3 : i32
    %dma_start3A_607 = arith.constant 0 : i32
    %dma_start3A_608 = tpu.memref_slice %arg7[%dma_start3A_606, %dma_start3A_607] : memref<4x128xf32, #tpu.memory_space<vmem>> -> memref<1x128xf32, #tpu.memory_space<vmem>>
    %dma_start3A_609 = tpu.memref_squeeze %dma_start3A_608 : memref<1x128xf32, #tpu.memory_space<vmem>> -> memref<128xf32, #tpu.memory_space<vmem>>
    %dma_start3A_610 = arith.constant 0 : i32
    %dma_start3A_611 = tpu.memref_slice %arg6[%dma_start3A_605, %dma_start3A_610] : memref<4x128xi32, #tpu.memory_space<vmem>> -> memref<1x128xi32, #tpu.memory_space<vmem>>
    %dma_start3A_612 = tpu.memref_squeeze %dma_start3A_611 : memref<1x128xi32, #tpu.memory_space<vmem>> -> memref<128xi32, #tpu.memory_space<vmem>>
    %dma_start3A_613 = arith.constant 0 : i32
    %dma_start3A_614 = tpu.memref_slice %arg2[%dma_start3A_613] : memref<16384000xf32, #tpu.memory_space<hbm>> -> memref<16384000xf32, #tpu.memory_space<hbm>>
    tpu.enqueue_indirect_dma source(%dma_start3A_614 : memref<16384000xf32, #tpu.memory_space<hbm>>) target(%dma_start3A_609 : memref<128xf32, #tpu.memory_space<vmem>>) offsets(%dma_start3A_612 : memref<128xi32, #tpu.memory_space<vmem>>) semaphore(%arg8 : memref<!tpu.dma_semaphore, #tpu.memory_space<semaphore_mem>>)
    %dma_wait3A = arith.constant 0 : i32
    %dma_wait3A_615 = arith.constant 0 : i32
    %dma_wait3A_616 = arith.constant 0 : i32
    %dma_wait3A_617 = tpu.memref_slice %arg7[%dma_wait3A_615, %dma_wait3A_616] : memref<4x128xf32, #tpu.memory_space<vmem>> -> memref<1x128xf32, #tpu.memory_space<vmem>>
    %dma_wait3A_618 = tpu.memref_squeeze %dma_wait3A_617 : memref<1x128xf32, #tpu.memory_space<vmem>> -> memref<128xf32, #tpu.memory_space<vmem>>
    %dma_wait3A_619 = arith.constant 0 : i32
    %dma_wait3A_620 = tpu.memref_slice %arg6[%dma_wait3A, %dma_wait3A_619] : memref<4x128xi32, #tpu.memory_space<vmem>> -> memref<1x128xi32, #tpu.memory_space<vmem>>
    %dma_wait3A_621 = tpu.memref_squeeze %dma_wait3A_620 : memref<1x128xi32, #tpu.memory_space<vmem>> -> memref<128xi32, #tpu.memory_space<vmem>>
    %dma_wait3A_622 = arith.constant 0 : i32
    %dma_wait3A_623 = tpu.memref_slice %arg2[%dma_wait3A_622] : memref<16384000xf32, #tpu.memory_space<hbm>> -> memref<16384000xf32, #tpu.memory_space<hbm>>
    tpu.wait_indirect_dma semaphore(%arg8 : memref<!tpu.dma_semaphore, #tpu.memory_space<semaphore_mem>>) src(%dma_wait3A_623 : memref<16384000xf32, #tpu.memory_space<hbm>>) dst(%dma_wait3A_618 : memref<128xf32, #tpu.memory_space<vmem>>)
    %dma_wait3A_624 = arith.constant 1 : i32
    %dma_wait3A_625 = arith.constant 1 : i32
    %dma_wait3A_626 = arith.constant 0 : i32
    %dma_wait3A_627 = tpu.memref_slice %arg7[%dma_wait3A_625, %dma_wait3A_626] : memref<4x128xf32, #tpu.memory_space<vmem>> -> memref<1x128xf32, #tpu.memory_space<vmem>>
    %dma_wait3A_628 = tpu.memref_squeeze %dma_wait3A_627 : memref<1x128xf32, #tpu.memory_space<vmem>> -> memref<128xf32, #tpu.memory_space<vmem>>
    %dma_wait3A_629 = arith.constant 0 : i32
    %dma_wait3A_630 = tpu.memref_slice %arg6[%dma_wait3A_624, %dma_wait3A_629] : memref<4x128xi32, #tpu.memory_space<vmem>> -> memref<1x128xi32, #tpu.memory_space<vmem>>
    %dma_wait3A_631 = tpu.memref_squeeze %dma_wait3A_630 : memref<1x128xi32, #tpu.memory_space<vmem>> -> memref<128xi32, #tpu.memory_space<vmem>>
    %dma_wait3A_632 = arith.constant 0 : i32
    %dma_wait3A_633 = tpu.memref_slice %arg2[%dma_wait3A_632] : memref<16384000xf32, #tpu.memory_space<hbm>> -> memref<16384000xf32, #tpu.memory_space<hbm>>
    tpu.wait_indirect_dma semaphore(%arg8 : memref<!tpu.dma_semaphore, #tpu.memory_space<semaphore_mem>>) src(%dma_wait3A_633 : memref<16384000xf32, #tpu.memory_space<hbm>>) dst(%dma_wait3A_628 : memref<128xf32, #tpu.memory_space<vmem>>)
    %dma_wait3A_634 = arith.constant 2 : i32
    %dma_wait3A_635 = arith.constant 2 : i32
    %dma_wait3A_636 = arith.constant 0 : i32
    %dma_wait3A_637 = tpu.memref_slice %arg7[%dma_wait3A_635, %dma_wait3A_636] : memref<4x128xf32, #tpu.memory_space<vmem>> -> memref<1x128xf32, #tpu.memory_space<vmem>>
    %dma_wait3A_638 = tpu.memref_squeeze %dma_wait3A_637 : memref<1x128xf32, #tpu.memory_space<vmem>> -> memref<128xf32, #tpu.memory_space<vmem>>
    %dma_wait3A_639 = arith.constant 0 : i32
    %dma_wait3A_640 = tpu.memref_slice %arg6[%dma_wait3A_634, %dma_wait3A_639] : memref<4x128xi32, #tpu.memory_space<vmem>> -> memref<1x128xi32, #tpu.memory_space<vmem>>
    %dma_wait3A_641 = tpu.memref_squeeze %dma_wait3A_640 : memref<1x128xi32, #tpu.memory_space<vmem>> -> memref<128xi32, #tpu.memory_space<vmem>>
    %dma_wait3A_642 = arith.constant 0 : i32
    %dma_wait3A_643 = tpu.memref_slice %arg2[%dma_wait3A_642] : memref<16384000xf32, #tpu.memory_space<hbm>> -> memref<16384000xf32, #tpu.memory_space<hbm>>
    tpu.wait_indirect_dma semaphore(%arg8 : memref<!tpu.dma_semaphore, #tpu.memory_space<semaphore_mem>>) src(%dma_wait3A_643 : memref<16384000xf32, #tpu.memory_space<hbm>>) dst(%dma_wait3A_638 : memref<128xf32, #tpu.memory_space<vmem>>)
    %dma_wait3A_644 = arith.constant 3 : i32
    %dma_wait3A_645 = arith.constant 3 : i32
    %dma_wait3A_646 = arith.constant 0 : i32
    %dma_wait3A_647 = tpu.memref_slice %arg7[%dma_wait3A_645, %dma_wait3A_646] : memref<4x128xf32, #tpu.memory_space<vmem>> -> memref<1x128xf32, #tpu.memory_space<vmem>>
    %dma_wait3A_648 = tpu.memref_squeeze %dma_wait3A_647 : memref<1x128xf32, #tpu.memory_space<vmem>> -> memref<128xf32, #tpu.memory_space<vmem>>
    %dma_wait3A_649 = arith.constant 0 : i32
    %dma_wait3A_650 = tpu.memref_slice %arg6[%dma_wait3A_644, %dma_wait3A_649] : memref<4x128xi32, #tpu.memory_space<vmem>> -> memref<1x128xi32, #tpu.memory_space<vmem>>
    %dma_wait3A_651 = tpu.memref_squeeze %dma_wait3A_650 : memref<1x128xi32, #tpu.memory_space<vmem>> -> memref<128xi32, #tpu.memory_space<vmem>>
    %dma_wait3A_652 = arith.constant 0 : i32
    %dma_wait3A_653 = tpu.memref_slice %arg2[%dma_wait3A_652] : memref<16384000xf32, #tpu.memory_space<hbm>> -> memref<16384000xf32, #tpu.memory_space<hbm>>
    tpu.wait_indirect_dma semaphore(%arg8 : memref<!tpu.dma_semaphore, #tpu.memory_space<semaphore_mem>>) src(%dma_wait3A_653 : memref<16384000xf32, #tpu.memory_space<hbm>>) dst(%dma_wait3A_648 : memref<128xf32, #tpu.memory_space<vmem>>)
    %add3A_654 = arith.constant 0 : i32
    %add3A_655 = arith.addi %mul3A_2, %add3A_654 : i32
    %run_scoped3A = arith.constant 0 : i32
    "tpu.region"() ({
      %run_scoped3A_665 = tpu.sem_alloc : memref<!tpu.dma_semaphore, #tpu.memory_space<semaphore_mem>>
      %dma_start3A_666 = arith.constant 0 : i32
      %dma_start3A_667 = tpu.memref_slice %arg7[%run_scoped3A, %dma_start3A_666] : memref<4x128xf32, #tpu.memory_space<vmem>> -> memref<1x128xf32, #tpu.memory_space<vmem>>
      %dma_start3A_668 = tpu.memref_squeeze %dma_start3A_667 : memref<1x128xf32, #tpu.memory_space<vmem>> -> memref<128xf32, #tpu.memory_space<vmem>>
      %dma_start3A_669 = tpu.memref_slice %arg4[%add3A_655] : memref<16384xf32, #tpu.memory_space<hbm>> -> memref<128xf32, #tpu.memory_space<hbm>>
      %dma_start3A_670 = tpu.memref_slice %arg4[%add3A_655] : memref<16384xf32, #tpu.memory_space<hbm>> -> memref<128xf32, #tpu.memory_space<hbm>>
      %dma_start3A_671 = arith.constant 0 : i32
      %dma_start3A_672 = tpu.memref_slice %arg7[%run_scoped3A, %dma_start3A_671] : memref<4x128xf32, #tpu.memory_space<vmem>> -> memref<1x128xf32, #tpu.memory_space<vmem>>
      %dma_start3A_673 = tpu.memref_squeeze %dma_start3A_672 : memref<1x128xf32, #tpu.memory_space<vmem>> -> memref<128xf32, #tpu.memory_space<vmem>>
      tpu.enqueue_dma source(%dma_start3A_673 : memref<128xf32, #tpu.memory_space<vmem>>) target(%dma_start3A_670 : memref<128xf32, #tpu.memory_space<hbm>>) target_semaphore(%run_scoped3A_665 : memref<!tpu.dma_semaphore, #tpu.memory_space<semaphore_mem>>)
      %dma_wait3A_674 = arith.constant 0 : i32
      %dma_wait3A_675 = tpu.memref_slice %arg7[%run_scoped3A, %dma_wait3A_674] : memref<4x128xf32, #tpu.memory_space<vmem>> -> memref<1x128xf32, #tpu.memory_space<vmem>>
      %dma_wait3A_676 = tpu.memref_squeeze %dma_wait3A_675 : memref<1x128xf32, #tpu.memory_space<vmem>> -> memref<128xf32, #tpu.memory_space<vmem>>
      %dma_wait3A_677 = tpu.memref_slice %arg4[%add3A_655] : memref<16384xf32, #tpu.memory_space<hbm>> -> memref<128xf32, #tpu.memory_space<hbm>>
      %dma_wait3A_678 = tpu.memref_slice %arg4[%add3A_655] : memref<16384xf32, #tpu.memory_space<hbm>> -> memref<128xf32, #tpu.memory_space<hbm>>
      %dma_wait3A_679 = arith.constant 0 : i32
      %dma_wait3A_680 = tpu.memref_slice %arg7[%run_scoped3A, %dma_wait3A_679] : memref<4x128xf32, #tpu.memory_space<vmem>> -> memref<1x128xf32, #tpu.memory_space<vmem>>
      %dma_wait3A_681 = tpu.memref_squeeze %dma_wait3A_680 : memref<1x128xf32, #tpu.memory_space<vmem>> -> memref<128xf32, #tpu.memory_space<vmem>>
      tpu.wait_dma2 semaphore(%run_scoped3A_665 : memref<!tpu.dma_semaphore, #tpu.memory_space<semaphore_mem>>) src(%dma_wait3A_681 : memref<128xf32, #tpu.memory_space<vmem>>) dst(%dma_wait3A_678 : memref<128xf32, #tpu.memory_space<hbm>>)
      tpu.yield
    }) : () -> ()
    %add3A_656 = arith.constant 128 : i32
    %add3A_657 = arith.addi %mul3A_2, %add3A_656 : i32
    %run_scoped3A_658 = arith.constant 1 : i32
    "tpu.region"() ({
      %run_scoped3A_665 = tpu.sem_alloc : memref<!tpu.dma_semaphore, #tpu.memory_space<semaphore_mem>>
      %dma_start3A_666 = arith.constant 0 : i32
      %dma_start3A_667 = tpu.memref_slice %arg7[%run_scoped3A_658, %dma_start3A_666] : memref<4x128xf32, #tpu.memory_space<vmem>> -> memref<1x128xf32, #tpu.memory_space<vmem>>
      %dma_start3A_668 = tpu.memref_squeeze %dma_start3A_667 : memref<1x128xf32, #tpu.memory_space<vmem>> -> memref<128xf32, #tpu.memory_space<vmem>>
      %dma_start3A_669 = tpu.memref_slice %arg4[%add3A_657] : memref<16384xf32, #tpu.memory_space<hbm>> -> memref<128xf32, #tpu.memory_space<hbm>>
      %dma_start3A_670 = tpu.memref_slice %arg4[%add3A_657] : memref<16384xf32, #tpu.memory_space<hbm>> -> memref<128xf32, #tpu.memory_space<hbm>>
      %dma_start3A_671 = arith.constant 0 : i32
      %dma_start3A_672 = tpu.memref_slice %arg7[%run_scoped3A_658, %dma_start3A_671] : memref<4x128xf32, #tpu.memory_space<vmem>> -> memref<1x128xf32, #tpu.memory_space<vmem>>
      %dma_start3A_673 = tpu.memref_squeeze %dma_start3A_672 : memref<1x128xf32, #tpu.memory_space<vmem>> -> memref<128xf32, #tpu.memory_space<vmem>>
      tpu.enqueue_dma source(%dma_start3A_673 : memref<128xf32, #tpu.memory_space<vmem>>) target(%dma_start3A_670 : memref<128xf32, #tpu.memory_space<hbm>>) target_semaphore(%run_scoped3A_665 : memref<!tpu.dma_semaphore, #tpu.memory_space<semaphore_mem>>)
      %dma_wait3A_674 = arith.constant 0 : i32
      %dma_wait3A_675 = tpu.memref_slice %arg7[%run_scoped3A_658, %dma_wait3A_674] : memref<4x128xf32, #tpu.memory_space<vmem>> -> memref<1x128xf32, #tpu.memory_space<vmem>>
      %dma_wait3A_676 = tpu.memref_squeeze %dma_wait3A_675 : memref<1x128xf32, #tpu.memory_space<vmem>> -> memref<128xf32, #tpu.memory_space<vmem>>
      %dma_wait3A_677 = tpu.memref_slice %arg4[%add3A_657] : memref<16384xf32, #tpu.memory_space<hbm>> -> memref<128xf32, #tpu.memory_space<hbm>>
      %dma_wait3A_678 = tpu.memref_slice %arg4[%add3A_657] : memref<16384xf32, #tpu.memory_space<hbm>> -> memref<128xf32, #tpu.memory_space<hbm>>
      %dma_wait3A_679 = arith.constant 0 : i32
      %dma_wait3A_680 = tpu.memref_slice %arg7[%run_scoped3A_658, %dma_wait3A_679] : memref<4x128xf32, #tpu.memory_space<vmem>> -> memref<1x128xf32, #tpu.memory_space<vmem>>
      %dma_wait3A_681 = tpu.memref_squeeze %dma_wait3A_680 : memref<1x128xf32, #tpu.memory_space<vmem>> -> memref<128xf32, #tpu.memory_space<vmem>>
      tpu.wait_dma2 semaphore(%run_scoped3A_665 : memref<!tpu.dma_semaphore, #tpu.memory_space<semaphore_mem>>) src(%dma_wait3A_681 : memref<128xf32, #tpu.memory_space<vmem>>) dst(%dma_wait3A_678 : memref<128xf32, #tpu.memory_space<hbm>>)
      tpu.yield
    }) : () -> ()
    %add3A_659 = arith.constant 256 : i32
    %add3A_660 = arith.addi %mul3A_2, %add3A_659 : i32
    %run_scoped3A_661 = arith.constant 2 : i32
    "tpu.region"() ({
      %run_scoped3A_665 = tpu.sem_alloc : memref<!tpu.dma_semaphore, #tpu.memory_space<semaphore_mem>>
      %dma_start3A_666 = arith.constant 0 : i32
      %dma_start3A_667 = tpu.memref_slice %arg7[%run_scoped3A_661, %dma_start3A_666] : memref<4x128xf32, #tpu.memory_space<vmem>> -> memref<1x128xf32, #tpu.memory_space<vmem>>
      %dma_start3A_668 = tpu.memref_squeeze %dma_start3A_667 : memref<1x128xf32, #tpu.memory_space<vmem>> -> memref<128xf32, #tpu.memory_space<vmem>>
      %dma_start3A_669 = tpu.memref_slice %arg4[%add3A_660] : memref<16384xf32, #tpu.memory_space<hbm>> -> memref<128xf32, #tpu.memory_space<hbm>>
      %dma_start3A_670 = tpu.memref_slice %arg4[%add3A_660] : memref<16384xf32, #tpu.memory_space<hbm>> -> memref<128xf32, #tpu.memory_space<hbm>>
      %dma_start3A_671 = arith.constant 0 : i32
      %dma_start3A_672 = tpu.memref_slice %arg7[%run_scoped3A_661, %dma_start3A_671] : memref<4x128xf32, #tpu.memory_space<vmem>> -> memref<1x128xf32, #tpu.memory_space<vmem>>
      %dma_start3A_673 = tpu.memref_squeeze %dma_start3A_672 : memref<1x128xf32, #tpu.memory_space<vmem>> -> memref<128xf32, #tpu.memory_space<vmem>>
      tpu.enqueue_dma source(%dma_start3A_673 : memref<128xf32, #tpu.memory_space<vmem>>) target(%dma_start3A_670 : memref<128xf32, #tpu.memory_space<hbm>>) target_semaphore(%run_scoped3A_665 : memref<!tpu.dma_semaphore, #tpu.memory_space<semaphore_mem>>)
      %dma_wait3A_674 = arith.constant 0 : i32
      %dma_wait3A_675 = tpu.memref_slice %arg7[%run_scoped3A_661, %dma_wait3A_674] : memref<4x128xf32, #tpu.memory_space<vmem>> -> memref<1x128xf32, #tpu.memory_space<vmem>>
      %dma_wait3A_676 = tpu.memref_squeeze %dma_wait3A_675 : memref<1x128xf32, #tpu.memory_space<vmem>> -> memref<128xf32, #tpu.memory_space<vmem>>
      %dma_wait3A_677 = tpu.memref_slice %arg4[%add3A_660] : memref<16384xf32, #tpu.memory_space<hbm>> -> memref<128xf32, #tpu.memory_space<hbm>>
      %dma_wait3A_678 = tpu.memref_slice %arg4[%add3A_660] : memref<16384xf32, #tpu.memory_space<hbm>> -> memref<128xf32, #tpu.memory_space<hbm>>
      %dma_wait3A_679 = arith.constant 0 : i32
      %dma_wait3A_680 = tpu.memref_slice %arg7[%run_scoped3A_661, %dma_wait3A_679] : memref<4x128xf32, #tpu.memory_space<vmem>> -> memref<1x128xf32, #tpu.memory_space<vmem>>
      %dma_wait3A_681 = tpu.memref_squeeze %dma_wait3A_680 : memref<1x128xf32, #tpu.memory_space<vmem>> -> memref<128xf32, #tpu.memory_space<vmem>>
      tpu.wait_dma2 semaphore(%run_scoped3A_665 : memref<!tpu.dma_semaphore, #tpu.memory_space<semaphore_mem>>) src(%dma_wait3A_681 : memref<128xf32, #tpu.memory_space<vmem>>) dst(%dma_wait3A_678 : memref<128xf32, #tpu.memory_space<hbm>>)
      tpu.yield
    }) : () -> ()
    %add3A_662 = arith.constant 384 : i32
    %add3A_663 = arith.addi %mul3A_2, %add3A_662 : i32
    %run_scoped3A_664 = arith.constant 3 : i32
    "tpu.region"() ({
      %run_scoped3A_665 = tpu.sem_alloc : memref<!tpu.dma_semaphore, #tpu.memory_space<semaphore_mem>>
      %dma_start3A_666 = arith.constant 0 : i32
      %dma_start3A_667 = tpu.memref_slice %arg7[%run_scoped3A_664, %dma_start3A_666] : memref<4x128xf32, #tpu.memory_space<vmem>> -> memref<1x128xf32, #tpu.memory_space<vmem>>
      %dma_start3A_668 = tpu.memref_squeeze %dma_start3A_667 : memref<1x128xf32, #tpu.memory_space<vmem>> -> memref<128xf32, #tpu.memory_space<vmem>>
      %dma_start3A_669 = tpu.memref_slice %arg4[%add3A_663] : memref<16384xf32, #tpu.memory_space<hbm>> -> memref<128xf32, #tpu.memory_space<hbm>>
      %dma_start3A_670 = tpu.memref_slice %arg4[%add3A_663] : memref<16384xf32, #tpu.memory_space<hbm>> -> memref<128xf32, #tpu.memory_space<hbm>>
      %dma_start3A_671 = arith.constant 0 : i32
      %dma_start3A_672 = tpu.memref_slice %arg7[%run_scoped3A_664, %dma_start3A_671] : memref<4x128xf32, #tpu.memory_space<vmem>> -> memref<1x128xf32, #tpu.memory_space<vmem>>
      %dma_start3A_673 = tpu.memref_squeeze %dma_start3A_672 : memref<1x128xf32, #tpu.memory_space<vmem>> -> memref<128xf32, #tpu.memory_space<vmem>>
      tpu.enqueue_dma source(%dma_start3A_673 : memref<128xf32, #tpu.memory_space<vmem>>) target(%dma_start3A_670 : memref<128xf32, #tpu.memory_space<hbm>>) target_semaphore(%run_scoped3A_665 : memref<!tpu.dma_semaphore, #tpu.memory_space<semaphore_mem>>)
      %dma_wait3A_674 = arith.constant 0 : i32
      %dma_wait3A_675 = tpu.memref_slice %arg7[%run_scoped3A_664, %dma_wait3A_674] : memref<4x128xf32, #tpu.memory_space<vmem>> -> memref<1x128xf32, #tpu.memory_space<vmem>>
      %dma_wait3A_676 = tpu.memref_squeeze %dma_wait3A_675 : memref<1x128xf32, #tpu.memory_space<vmem>> -> memref<128xf32, #tpu.memory_space<vmem>>
      %dma_wait3A_677 = tpu.memref_slice %arg4[%add3A_663] : memref<16384xf32, #tpu.memory_space<hbm>> -> memref<128xf32, #tpu.memory_space<hbm>>
      %dma_wait3A_678 = tpu.memref_slice %arg4[%add3A_663] : memref<16384xf32, #tpu.memory_space<hbm>> -> memref<128xf32, #tpu.memory_space<hbm>>
      %dma_wait3A_679 = arith.constant 0 : i32
      %dma_wait3A_680 = tpu.memref_slice %arg7[%run_scoped3A_664, %dma_wait3A_679] : memref<4x128xf32, #tpu.memory_space<vmem>> -> memref<1x128xf32, #tpu.memory_space<vmem>>
      %dma_wait3A_681 = tpu.memref_squeeze %dma_wait3A_680 : memref<1x128xf32, #tpu.memory_space<vmem>> -> memref<128xf32, #tpu.memory_space<vmem>>
      tpu.wait_dma2 semaphore(%run_scoped3A_665 : memref<!tpu.dma_semaphore, #tpu.memory_space<semaphore_mem>>) src(%dma_wait3A_681 : memref<128xf32, #tpu.memory_space<vmem>>) dst(%dma_wait3A_678 : memref<128xf32, #tpu.memory_space<hbm>>)
      tpu.yield
    }) : () -> ()
    return
  }
}

module attributes {stable_mosaic.version = 14 : i64} {
  func.func @_ghm_block_kernel(%arg0: i32, %arg1: memref<2048x1000xf32, #tpu.memory_space<vmem>>, %arg2: memref<2048x1xf32, #tpu.memory_space<vmem>>, %arg3: memref<1x1xf32, #tpu.memory_space<vmem>>, %arg4: memref<1x16xf32, #tpu.memory_space<vmem>>, %arg5: memref<1x16xf32, #tpu.memory_space<vmem>>) attributes {dimension_semantics = [#tpu.dimension_semantics<arbitrary>], iteration_bounds = array<i64: 8>, scalar_prefetch = 0 : i64, scratch_operands = 2 : i64, tpu.core_type = #tpu.core_type<tc>, window_params = [{transform_indices = @transform_0, window_bounds = array<i64: 2048, 1000>}, {transform_indices = @transform_1, window_bounds = array<i64: 2048, 1>}, {pipeline_mode = #tpu.pipeline_mode<synchronous>, transform_indices = @transform_2, window_bounds = array<i64: 1, 1>}]} {
    %eq3A = arith.constant 0 : i32
    %eq3A_0 = arith.cmpi eq, %arg0, %eq3A : i32
    %convert_element_type3A = arith.extui %eq3A_0 : i1 to i32
    %cond3A = arith.constant 0 : i32
    %cond3A_1 = arith.cmpi ne, %convert_element_type3A, %cond3A : i32
    scf.if %cond3A_1 {
      %broadcast_in_dim3A_81 = arith.constant 0.000000e+00 : f32
      %broadcast_in_dim3A_82 = vector.broadcast %broadcast_in_dim3A_81 : f32 to vector<1x16xf32>
      %swap3A_83 = arith.constant 0 : index
      %swap3A_84 = arith.constant 0 : index
      %swap3A_85 = vector.load %arg4[%swap3A_83, %swap3A_84] : memref<1x16xf32, #tpu.memory_space<vmem>>, vector<1x16xf32>
      tpu.vector_store %arg4[%swap3A_83, %swap3A_84], %broadcast_in_dim3A_82 {strides = array<i32>} : memref<1x16xf32, #tpu.memory_space<vmem>>, vector<1x16xf32>,
      %broadcast_in_dim3A_86 = arith.constant 0.000000e+00 : f32
      %broadcast_in_dim3A_87 = vector.broadcast %broadcast_in_dim3A_86 : f32 to vector<1x16xf32>
      %swap3A_88 = arith.constant 0 : index
      %swap3A_89 = arith.constant 0 : index
      %swap3A_90 = vector.load %arg5[%swap3A_88, %swap3A_89] : memref<1x16xf32, #tpu.memory_space<vmem>>, vector<1x16xf32>
      tpu.vector_store %arg5[%swap3A_88, %swap3A_89], %broadcast_in_dim3A_87 {strides = array<i32>} : memref<1x16xf32, #tpu.memory_space<vmem>>, vector<1x16xf32>,
    } else {
    }
    %get3A = arith.constant 0 : index
    %get3A_2 = arith.constant 0 : index
    %get3A_3 = vector.load %arg1[%get3A, %get3A_2] : memref<2048x1000xf32, #tpu.memory_space<vmem>>, vector<2048x1000xf32>
    %get3A_4 = arith.constant 0 : index
    %get3A_5 = arith.constant 0 : index
    %get3A_6 = vector.load %arg2[%get3A_4, %get3A_5] : memref<2048x1xf32, #tpu.memory_space<vmem>>, vector<2048x1xf32>
    %reduce_max3A = arith.constant dense<0xFF800000> : vector<2048xf32>
    %reduce_max3A_7 = vector.multi_reduction <maximumf>, %get3A_3, %reduce_max3A [1] : vector<2048x1000xf32> to vector<2048xf32>
    %broadcast_in_dim3A = vector.shape_cast %reduce_max3A_7 : vector<2048xf32> to vector<2048x1xf32>
    %sub3A = vector.broadcast %broadcast_in_dim3A : vector<2048x1xf32> to vector<2048x1000xf32>
    %sub3A_8 = arith.subf %get3A_3, %sub3A : vector<2048x1000xf32>
    %exp3A = math.exp %sub3A_8 : vector<2048x1000xf32>
    %reduce_sum3A = arith.constant dense<0.000000e+00> : vector<2048xf32>
    %reduce_sum3A_9 = vector.multi_reduction <add>, %exp3A, %reduce_sum3A [1] : vector<2048x1000xf32> to vector<2048xf32>
    %broadcast_in_dim3A_10 = vector.shape_cast %reduce_sum3A_9 : vector<2048xf32> to vector<2048x1xf32>
    %log3A = math.log %broadcast_in_dim3A_10 : vector<2048x1xf32>
    %add3A = arith.addf %log3A, %broadcast_in_dim3A : vector<2048x1xf32>
    %sub3A_11 = arith.subf %add3A, %get3A_6 : vector<2048x1xf32>
    %sub3A_12 = arith.subf %get3A_6, %broadcast_in_dim3A : vector<2048x1xf32>
    %exp3A_13 = math.exp %sub3A_12 : vector<2048x1xf32>
    %div3A = arith.divf %exp3A_13, %broadcast_in_dim3A_10 : vector<2048x1xf32>
    %mul3A = arith.constant 2.000000e+00 : f32
    %mul3A_14 = vector.broadcast %mul3A : f32 to vector<2048x1xf32>
    %mul3A_15 = arith.mulf %mul3A_14, %div3A : vector<2048x1xf32>
    %sub3A_16 = arith.constant 2.000000e+00 : f32
    %sub3A_17 = vector.broadcast %sub3A_16 : f32 to vector<2048x1xf32>
    %sub3A_18 = arith.subf %sub3A_17, %mul3A_15 : vector<2048x1xf32>
    %iota3A = tpu.iota {dimensions = array<i32: 1>} : vector<1x16xi32>
    %convert_element_type3A_19 = arith.sitofp %iota3A : vector<1x16xi32> to vector<1x16xf32>
    %eq3A_20 = arith.constant 0 : i32
    %eq3A_21 = vector.broadcast %eq3A_20 : i32 to vector<1x16xi32>
    %eq3A_22 = arith.cmpi eq, %iota3A, %eq3A_21 : vector<1x16xi32>
    %neg3A = arith.constant 0.000000e+00 : f32
    %neg3A_23 = arith.constant 0x7F800000 : f32
    %neg3A_24 = arith.subf %neg3A, %neg3A_23 : f32
    %le3A = arith.constant 9 : i32
    %le3A_25 = vector.broadcast %le3A : i32 to vector<1x16xi32>
    %le3A_26 = arith.cmpi sle, %iota3A, %le3A_25 : vector<1x16xi32>
    %div3A_27 = arith.constant 1.000000e+01 : f32
    %div3A_28 = vector.broadcast %div3A_27 : f32 to vector<1x16xf32>
    %div3A_29 = arith.divf %convert_element_type3A_19, %div3A_28 : vector<1x16xf32>
    %jit3A = arith.constant 0x7F800000 : f32
    %broadcast_in_dim3A_30 = vector.broadcast %jit3A : f32 to vector<1x16xf32>
    %select_n3A = arith.select %le3A_26, %div3A_29, %broadcast_in_dim3A_30 : vector<1x16xi1>, vector<1x16xf32>
    %broadcast_in_dim3A_31 = vector.broadcast %neg3A_24 : f32 to vector<1x16xf32>
    %select_n3A_32 = arith.select %eq3A_22, %broadcast_in_dim3A_31, %select_n3A : vector<1x16xi1>, vector<1x16xf32>
    %ge3A = arith.constant 9 : i32
    %ge3A_33 = vector.broadcast %ge3A : i32 to vector<1x16xi32>
    %ge3A_34 = arith.cmpi sge, %iota3A, %ge3A_33 : vector<1x16xi32>
    %add3A_35 = arith.constant 1.000000e+00 : f32
    %add3A_36 = vector.broadcast %add3A_35 : f32 to vector<1x16xf32>
    %add3A_37 = arith.addf %convert_element_type3A_19, %add3A_36 : vector<1x16xf32>
    %div3A_38 = arith.constant 1.000000e+01 : f32
    %div3A_39 = vector.broadcast %div3A_38 : f32 to vector<1x16xf32>
    %div3A_40 = arith.divf %add3A_37, %div3A_39 : vector<1x16xf32>
    %jit3A_41 = arith.constant 0x7F800000 : f32
    %broadcast_in_dim3A_42 = vector.broadcast %jit3A_41 : f32 to vector<1x16xf32>
    %select_n3A_43 = arith.select %ge3A_34, %broadcast_in_dim3A_42, %div3A_40 : vector<1x16xi1>, vector<1x16xf32>
    %lt3A = vector.broadcast %select_n3A_32 : vector<1x16xf32> to vector<2048x16xf32>
    %lt3A_44 = vector.broadcast %sub3A_18 : vector<2048x1xf32> to vector<2048x16xf32>
    %lt3A_45 = arith.cmpf olt, %lt3A, %lt3A_44 : vector<2048x16xf32>
    %lt3A_46 = vector.broadcast %select_n3A_43 : vector<1x16xf32> to vector<2048x16xf32>
    %lt3A_47 = vector.broadcast %sub3A_18 : vector<2048x1xf32> to vector<2048x16xf32>
    %lt3A_48 = arith.cmpf olt, %lt3A_46, %lt3A_47 : vector<2048x16xf32>
    %not3A = arith.constant dense<true> : vector<2048x16xi1>
    %not3A_49 = arith.xori %lt3A_48, %not3A : vector<2048x16xi1>
    %and3A = arith.andi %lt3A_45, %not3A_49 : vector<2048x16xi1>
    %jit3A_50 = arith.constant 1.000000e+00 : f32
    %jit3A_51 = arith.constant 0.000000e+00 : f32
    %broadcast_in_dim3A_52 = vector.broadcast %jit3A_50 : f32 to vector<2048x16xf32>
    %broadcast_in_dim3A_53 = vector.broadcast %jit3A_51 : f32 to vector<2048x16xf32>
    %select_n3A_54 = arith.select %and3A, %broadcast_in_dim3A_52, %broadcast_in_dim3A_53 : vector<2048x16xi1>, vector<2048x16xf32>
    %get3A_55 = arith.constant 0 : index
    %get3A_56 = arith.constant 0 : index
    %get3A_57 = vector.load %arg4[%get3A_55, %get3A_56] : memref<1x16xf32, #tpu.memory_space<vmem>>, vector<1x16xf32>
    %reduce_sum3A_58 = arith.constant dense<0.000000e+00> : vector<16xf32>
    %reduce_sum3A_59 = vector.multi_reduction <add>, %select_n3A_54, %reduce_sum3A_58 [0] : vector<2048x16xf32> to vector<16xf32>
    %broadcast_in_dim3A_60 = vector.shape_cast %reduce_sum3A_59 : vector<16xf32> to vector<1x16xf32>
    %add3A_61 = arith.addf %get3A_57, %broadcast_in_dim3A_60 : vector<1x16xf32>
    %swap3A = arith.constant 0 : index
    %swap3A_62 = arith.constant 0 : index
    %swap3A_63 = vector.load %arg4[%swap3A, %swap3A_62] : memref<1x16xf32, #tpu.memory_space<vmem>>, vector<1x16xf32>
    tpu.vector_store %arg4[%swap3A, %swap3A_62], %add3A_61 {strides = array<i32>} : memref<1x16xf32, #tpu.memory_space<vmem>>, vector<1x16xf32>,
    %get3A_64 = arith.constant 0 : index
    %get3A_65 = arith.constant 0 : index
    %get3A_66 = vector.load %arg5[%get3A_64, %get3A_65] : memref<1x16xf32, #tpu.memory_space<vmem>>, vector<1x16xf32>
    %mul3A_67 = vector.broadcast %sub3A_11 : vector<2048x1xf32> to vector<2048x16xf32>
    %mul3A_68 = arith.mulf %mul3A_67, %select_n3A_54 : vector<2048x16xf32>
    %reduce_sum3A_69 = arith.constant dense<0.000000e+00> : vector<16xf32>
    %reduce_sum3A_70 = vector.multi_reduction <add>, %mul3A_68, %reduce_sum3A_69 [0] : vector<2048x16xf32> to vector<16xf32>
    %broadcast_in_dim3A_71 = vector.shape_cast %reduce_sum3A_70 : vector<16xf32> to vector<1x16xf32>
    %add3A_72 = arith.addf %get3A_66, %broadcast_in_dim3A_71 : vector<1x16xf32>
    %swap3A_73 = arith.constant 0 : index
    %swap3A_74 = arith.constant 0 : index
    %swap3A_75 = vector.load %arg5[%swap3A_73, %swap3A_74] : memref<1x16xf32, #tpu.memory_space<vmem>>, vector<1x16xf32>
    tpu.vector_store %arg5[%swap3A_73, %swap3A_74], %add3A_72 {strides = array<i32>} : memref<1x16xf32, #tpu.memory_space<vmem>>, vector<1x16xf32>,
    %eq3A_76 = arith.constant 7 : i32
    %eq3A_77 = arith.cmpi eq, %arg0, %eq3A_76 : i32
    %convert_element_type3A_78 = arith.extui %eq3A_77 : i1 to i32
    %cond3A_79 = arith.constant 0 : i32
    %cond3A_80 = arith.cmpi ne, %convert_element_type3A_78, %cond3A_79 : i32
    scf.if %cond3A_80 {
      %get3A_81 = arith.constant 0 : index
      %get3A_82 = arith.constant 0 : index
      %get3A_83 = vector.load %arg4[%get3A_81, %get3A_82] : memref<1x16xf32, #tpu.memory_space<vmem>>, vector<1x16xf32>
      %get3A_84 = arith.constant 0 : index
      %get3A_85 = arith.constant 0 : index
      %get3A_86 = vector.load %arg5[%get3A_84, %get3A_85] : memref<1x16xf32, #tpu.memory_space<vmem>>, vector<1x16xf32>
      %mul3A_87 = arith.constant 2.500000e-01 : f32
      %mul3A_88 = vector.broadcast %mul3A_87 : f32 to vector<1x16xf32>
      %mul3A_89 = arith.mulf %mul3A_88, %get3A_83 : vector<1x16xf32>
      %add3A_90 = arith.constant 2.000000e-07 : f32
      %add3A_91 = vector.broadcast %add3A_90 : f32 to vector<1x16xf32>
      %add3A_92 = arith.addf %mul3A_89, %add3A_91 : vector<1x16xf32>
      %div3A_93 = arith.constant 1.000000e+00 : f32
      %div3A_94 = vector.broadcast %div3A_93 : f32 to vector<1x16xf32>
      %div3A_95 = arith.divf %div3A_94, %add3A_92 : vector<1x16xf32>
      %mul3A_96 = arith.mulf %get3A_86, %div3A_95 : vector<1x16xf32>
      %reduce_sum3A_97 = vector.shape_cast %mul3A_96 : vector<1x16xf32> to vector<1x1x16xf32>
      %reduce_sum3A_98 = arith.constant dense<0.000000e+00> : vector<1xf32>
      %reduce_sum3A_99 = vector.multi_reduction <add>, %reduce_sum3A_97, %reduce_sum3A_98 [1, 2] : vector<1x1x16xf32> to vector<1xf32>
      %reduce_sum3A_100 = vector.shape_cast %reduce_sum3A_99 : vector<1xf32> to vector<1x1x1xf32>
      %reduce_sum3A_101 = vector.extract %reduce_sum3A_100[0, 0, 0] : f32 from vector<1x1x1xf32>
      %broadcast_in_dim3A_102 = vector.broadcast %reduce_sum3A_101 : f32 to vector<1x1xf32>
      %mul3A_103 = arith.mulf %get3A_83, %div3A_95 : vector<1x16xf32>
      %reduce_sum3A_104 = vector.shape_cast %mul3A_103 : vector<1x16xf32> to vector<1x1x16xf32>
      %reduce_sum3A_105 = arith.constant dense<0.000000e+00> : vector<1xf32>
      %reduce_sum3A_106 = vector.multi_reduction <add>, %reduce_sum3A_104, %reduce_sum3A_105 [1, 2] : vector<1x1x16xf32> to vector<1xf32>
      %reduce_sum3A_107 = vector.shape_cast %reduce_sum3A_106 : vector<1xf32> to vector<1x1x1xf32>
      %reduce_sum3A_108 = vector.extract %reduce_sum3A_107[0, 0, 0] : f32 from vector<1x1x1xf32>
      %broadcast_in_dim3A_109 = vector.broadcast %reduce_sum3A_108 : f32 to vector<1x1xf32>
      %div3A_110 = arith.divf %broadcast_in_dim3A_102, %broadcast_in_dim3A_109 : vector<1x1xf32>
      %swap3A_111 = arith.constant 0 : index
      %swap3A_112 = arith.constant 0 : index
      %swap3A_113 = vector.load %arg3[%swap3A_111, %swap3A_112] : memref<1x1xf32, #tpu.memory_space<vmem>>, vector<1x1xf32>
      tpu.vector_store %arg3[%swap3A_111, %swap3A_112], %div3A_110 {strides = array<i32>} : memref<1x1xf32, #tpu.memory_space<vmem>>, vector<1x1xf32>,
    } else {
    }
    return
  }
  func.func @transform_0(%arg0: i32) -> (i32, i32) {
    %c0_i32 = arith.constant 0 : i32
    %c0_i32_0 = arith.constant 0 : i32
    return %arg0, %c0_i32 : i32, i32
  }
  func.func @transform_1(%arg0: i32) -> (i32, i32) {
    %c0_i32 = arith.constant 0 : i32
    %c0_i32_0 = arith.constant 0 : i32
    return %arg0, %c0_i32 : i32, i32
  }
  func.func @transform_2(%arg0: i32) -> (i32, i32) {
    %c0_i32 = arith.constant 0 : i32
    %c0_i32_0 = arith.constant 0 : i32
    %c0_i32_1 = arith.constant 0 : i32
    return %c0_i32, %c0_i32_0 : i32, i32
  }
}

</mosaic_0001>

<sc_bundles>
// kernel: kernel.4.cloned.1.call-start
scs
__scs_entry_jumppad:
0x0: {  	(pc) =	sbr.rel $0x88, $3  }
0x1: {  	(tag) =	ssettag $0x0;
	lr =	simm.s32 $0x1  }
0x2: {  	[smem:$0x3F9F] =	sst lr;
	_ =	strace $0xD0000000  }
0x3: {  	_ = 	snop  }
0x4: {  	_ = 	snop  }
0x5: {  	_ = 	snop  }
0x6: {  	_ = 	snop  }
0x7: {  	_ = 	snop  }
__scs_overlays_trampoline_lowered:
0x8: {  	[smem:$0x3FAE] =	sst s0  }
0x9: {  	[smem:$0x3FAF] =	sst s1  }
0xa: {  	[smem:$0x3FB0] =	sst s2  }
0xb: {  	[smem:$0x3FB1] =	sst s3  }
0xc: {  	[smem:$0x3FB2] =	sst s4  }
0xd: {  	[smem:$0x3FB3] =	sst s5  }
0xe: {  	[smem:$0x3FB4] =	sst s6  }
0xf: {  	[smem:$0x3FB5] =	sst s7  }
0x10: {  	[smem:$0x3FB6] =	sst s8  }
0x11: {  	[smem:$0x3FB7] =	sst s9;
	s0 =	simm.s32 @!p0 $0x0  }
0x12: {  	s1 =	sld [smem:$0x3F9D];
	s0 =	simm.s32 @p0 $0x1  }
0x13: {  	[smem:$0x3FB8] =	sst s0;
	s0 =	simm.s32 @!p1 $0x0  }
0x14: {  	s2 =	sld [smem:$0x3F9C];
	s0 =	simm.s32 @p1 $0x1  }
0x15: {  	[smem:$0x3FB9] =	sst s0;
	s0 =	simm.s32 @!p2 $0x0  }
0x16: {  	s3 =	sld [smem:$0x3FDB];
	s0 =	simm.s32 @p2 $0x1  }
0x17: {  	s4 =	simm.s32 $0x1BF5;
	[smem:$0x3FBB] =	sst s0  }
0x18: {  	s0 =	sld [smem:$0x3F9E];
	_ =	swait.ge [sflag:s4], $0x0  }
0x19: {  	s7 =	sld [smem:$0x3F9F]  }
0x1a: {  	s8 =	sadd.s32 $0xFFFFE003, lr  }
0x1b: {  	s9 =	sadd.s32 $0xFFFFFEF7, lr;
	s5 =	simm.s32 $0xFFFFFFFF;
	p2 =	slt.u32 s8, $0xFFFFF086  }
0x1c: {  	p1 =	slt.u32 s9, $0xF7A;
	s5 =	simm.s32 @!p2 $0x0  }
0x1d: {  	s5 =	simm.s32 @p1 $0x1;
	p0 =	seq.s32 s7, s2  }
0x1e: {  	s7 =	smul.u32 @!p0 $0xF7A, s2;
	p2 =	seq.s32 @!p0 s5, $0x0  }
0x1f: {  	s9 =	smul.u32 $0xF7A, s1;
	s8 =	simm.s32 @!p0 $0x1BF5;
	p2 =	por !p2, p0  }
0x20: {  	[sflag:s8] =	ssyncset.s32 @!p0 $0xFFFFF086;
	s6 =	sadd.s32 @!p0 s3, s7;
	s7 =	simm.s32 @!p0 $0x108  }
0x21: {  	s3 =	sadd.s32 s3, s9;
	s6 =	sadd.s32 @!p0 $0x88, s6;
	s7 =	simm.s32 @p2 $0x1082  }
0x22: {  	[simem:s7], [sflag:s8] =	dma.local @!p0 [hbm:s6], $0xF7A  }
0x23: {  	s9 =	sor.u32 $0xD0000000, s2;
	s6 =	simm.s32 $0x108;
	_ =	swait.ge @!p0 [sflag:s8], $0x0  }
0x24: {  	s3 =	sadd.s32 $0x88, s3;
	s6 =	simm.s32 @!p1 $0x1082;
	[sflag:s4] =	ssyncset.s32 $0xFFFFF086  }
0x25: {  	[simem:s6], [sflag:s4] =	dma.local [hbm:s3], $0xF7A  }
0x26: {  	[smem:$0x3F9F] =	sst s1;
	(tag) =	ssettag s2;
	_ =	strace s9  }
0x27: {  	s1 =	sld [smem:$0x3FAF]  }
0x28: {  	s2 =	sld [smem:$0x3FB0]  }
0x29: {  	s4 =	sld [smem:$0x3FB2]  }
0x2a: {  	p0 =	seq.s32 s5, $0x0;
	s5 =	sld [smem:$0x3FB3]  }
0x2b: {  	s6 =	sld [smem:$0x3FB4]  }
0x2c: {  	s7 =	sld [smem:$0x3FB5]  }
0x2d: {  	s3 =	simm.s32 $0x108;
	s8 =	sld [smem:$0x3FB6]  }
0x2e: {  	s3 =	simm.s32 @!p0 $0x1082;
	s9 =	sld [smem:$0x3FB7]  }
0x2f: {  	lr =	sadd.s32 s0, s3;
	s0 =	sld [smem:$0x3FAE]  }
0x30: {  	s3 =	sld [smem:$0x3FB1]  }
0x31: {  	[smem:$0x3FBA] =	sst s10  }
0x32: {  	s10 =	sld [smem:$0x3FB8];
	_ =	sdelay $0x3  }
0x33: {  	p0 =	seq.s32 s10, $0x1;
	s10 =	sld [smem:$0x3FBA];
	_ =	sdelay $0x3  }
0x34: {  	[smem:$0x3FBA] =	sst s10  }
0x35: {  	s10 =	sld [smem:$0x3FB9];
	_ =	sdelay $0x3  }
0x36: {  	p1 =	seq.s32 s10, $0x1;
	s10 =	sld [smem:$0x3FBA];
	_ =	sdelay $0x3  }
0x37: {  	[smem:$0x3FBA] =	sst s10  }
0x38: {  	s10 =	sld [smem:$0x3FBB]  }
0x39: {  	_ = 	snop;
	(pc) =	sbr.ind lr, $3  }
0x3a: {  	_ = 	snop  }
0x3b: {  	_ = 	snop  }
0x3c: {  	p2 =	seq.s32 s10, $0x1;
	s10 =	sld [smem:$0x3FBA]  }
0x3d: {  	_ =	shalt  }
0x3e: {  	_ =	shalt  }
0x3f: {  	_ =	shalt  }
0x40: {  	_ =	shalt  }
0x41: {  	_ =	shalt  }
0x42: {  	_ =	shalt  }
0x43: {  	_ =	shalt  }
0x44: {  	_ =	shalt  }
0x45: {  	_ =	shalt  }
0x46: {  	_ =	shalt  }
0x47: {  	_ =	shalt  }
0x48: {  	_ =	shalt  }
0x49: {  	_ =	shalt  }
0x4a: {  	_ =	shalt  }
0x4b: {  	_ =	shalt  }
0x4c: {  	_ =	shalt  }
0x4d: {  	_ =	shalt  }
0x4e: {  	_ =	shalt  }
0x4f: {  	_ =	shalt  }
0x50: {  	_ =	shalt  }
0x51: {  	_ =	shalt  }
0x52: {  	_ =	shalt  }
0x53: {  	_ =	shalt  }
0x54: {  	_ =	shalt  }
0x55: {  	_ =	shalt  }
0x56: {  	_ =	shalt  }
0x57: {  	_ =	shalt  }
0x58: {  	_ =	shalt  }
0x59: {  	_ =	shalt  }
0x5a: {  	_ =	shalt  }
0x5b: {  	_ =	shalt  }
0x5c: {  	_ =	shalt  }
0x5d: {  	_ =	shalt  }
0x5e: {  	_ =	shalt  }
0x5f: {  	_ =	shalt  }
0x60: {  	_ =	shalt  }
0x61: {  	_ =	shalt  }
0x62: {  	_ =	shalt  }
0x63: {  	_ =	shalt  }
0x64: {  	_ =	shalt  }
0x65: {  	_ =	shalt  }
0x66: {  	_ =	shalt  }
0x67: {  	_ =	shalt  }
0x68: {  	_ =	shalt  }
0x69: {  	_ =	shalt  }
0x6a: {  	_ =	shalt  }
0x6b: {  	_ =	shalt  }
0x6c: {  	_ =	shalt  }
0x6d: {  	_ =	shalt  }
0x6e: {  	_ =	shalt  }
0x6f: {  	_ =	shalt  }
0x70: {  	_ =	shalt  }
0x71: {  	_ =	shalt  }
0x72: {  	_ =	shalt  }
0x73: {  	_ =	shalt  }
0x74: {  	_ =	shalt  }
0x75: {  	_ =	shalt  }
0x76: {  	_ =	shalt  }
0x77: {  	_ =	shalt  }
0x78: {  	_ =	shalt  }
0x79: {  	_ =	shalt  }
0x7a: {  	_ =	shalt  }
0x7b: {  	_ =	shalt  }
0x7c: {  	_ =	shalt  }
0x7d: {  	_ =	shalt  }
0x7e: {  	_ =	shalt  }
0x7f: {  	_ =	shalt  }
0x80: {  	_ =	shalt  }
0x81: {  	_ =	shalt  }
0x82: {  	_ =	shalt  }
0x83: {  	_ =	shalt  }
0x84: {  	_ =	shalt  }
0x85: {  	_ =	shalt  }
0x86: {  	_ =	shalt  }
0x87: {  	_ =	shalt  }
.Lfunc_end0:
.L_simem_size_0:
called_computation_lowered:
.L_overlay_start_0:
0x88: {  	s2 =	sld [smem:$0x3FD9]  }
0x89: {  	s3 =	sld [smem:$0x3FFE];
	_ =	sdelay $0x1  }
0x8a: {  	s1 =	srdreg.scid  }
0x8b: {  	s0 =	sand.u32 $0x1, s1  }
0x8c: {  	s17 =	sshll.u32 s0, $0xA;
	s2 =	sadd.s32 s3, s2  }
0x8d: {  	s2 =	sadd.s32 s2, s17  }
0x8e: {  	[smem:$0x3FC6] =	sst s2  }
0x8f: {  	_ = 	snop  }
0x90: {  	s2 =	sld [smem:$0x3FC8];
	(tm) =	ssettm $0x1  }
0x91: {  	s18 =	sld [smem:$0x3FFB];
	_ =	sdelay $0x3  }
0x92: {  	_ =	strace s18  }
0x93: {  	s3 =	sld [smem:$0x3FFC];
	_ =	sdelay $0x3  }
0x94: {  	_ =	strace s3  }
0x95: {  	s3 =	sld [smem:$0x3FFD];
	_ =	sdelay $0x3  }
0x96: {  	_ =	strace s3  }
0x97: {  	_ =	strace $0x8FFFFFFF  }
0x98: {  	s19 =	sld [smem:$0x3FDB];
	_ =	sdelay $0x1  }
0x99: {  	s4 =	simm.s32 $_scs_section_size  }
0x9a: {  	s5 =	simm.s32 $_size__tile_overlayer_lowered;
	s6 =	simm.s32 $_tile_overlayer_lowered  }
0x9b: {  	s22 =	simm.s32 $0x1BFF;
	s21 =	sshll.u32 s6, $0x1;
	s3 =	sadd.s32 s4, s19  }
0x9c: {  	s7 =	simm.s32 $0x0;
	s20 =	sshll.u32 s5, $0x1;
	s5 =	sadd.s32 s21, s3  }
0x9d: {  	[timem:s7], [sflag:s22] =	dma.local [hbm:s5], s20  }
0x9e: {  	_ =	swait.ge [sflag:s22], s20  }
0x9f: {  	s4 =	ssub.s32 $0x0, s20;
	[sflag:s22] =	ssyncset.done $0x0  }
0xa0: {  	[sflag:s22] =	ssyncadd.s32 s4;
	_ =	sdelay $0x1  }
0xa1: {  	s23 =	simm.s32 $0x1B8B  }
0xa2: {  	_ =	swait.ge [sflag:s23], $0x1  }
0xa3: {  	[sflag:s23] =	ssyncset.done $0x0  }
0xa4: {  	s25 =	simm.s32 $0x1B8E;
	s24 =	sld [smem:$0x3FFE];
	[sflag:s23] =	ssyncadd.s32 $0xFFFFFFFF  }
0xa5: {  	s26 =	simm.s32 $execute0_lowered;
	[smem:$0x3FD2] =	sst s25  }
0xa6: {  	s5 =	sshll.u32 s26, $0x1;
	_ =	strace $0x80000046;
	[dreg:$0x1] =	wrdreg $0xFFFFFFFF  }
0xa7: {  	s28 =	simm.s32 $_size_execute0_lowered;
	s3 =	sadd.s32 s3, s5;
	[dreg:$0x0] =	wrdreg $0x0  }
0xa8: {  	s5 =	sshll.u32 s28, $0x1;
	[dreg:$0x2] =	wrdreg s3  }
0xa9: {  	[dreg:$0x3] =	wrdreg s5  }
0xaa: {  	[dreg:$0x4] =	wrdreg $0xC0  }
0xab: {  	_ =	task [dreg:s7], $0x5FFFF  }
0xac: {  	[dreg:$0x1] =	wrdreg $0xFFFFFFFF  }
0xad: {  	[dreg:$0x0] =	wrdreg $0x60  }
0xae: {  	[dreg:$0x2] =	wrdreg s24  }
0xaf: {  	[dreg:$0x3] =	wrdreg s2  }
0xb0: {  	[dreg:$0x4] =	wrdreg $0x9  }
0xb1: {  	_ =	task.clear_ibuf [dreg:s7], $0x5FFFF;
	_ =	strace $0x90000046  }
0xb2: {  	s29 =	simm.s32 $0x9;
	_ =	strace $0x80000048  }
0xb3: {  	_ =	swait.ge [sflag:s29], $0x1  }
0xb4: {  	[sflag:s29] =	ssyncadd.s32 $0xFFFFFFFF  }
0xb5: {  	_ =	strace $0x90000048  }
0xb6: {  	_ =	sfence  }
0xb7: {  	s30 =	sld [smem:$0x0];
	_ =	sdelay $0x2  }
0xb8: {  	s31 =	sshll.u32 s1, $0xD;
	s1 =	sshrl.u32 s1, $0x2  }
0xb9: {  	s3 =	sand.u32 $0x4000, s31;
	s1 =	sadd.s32 s1, s30  }
0xba: {  	s0 =	sor.u32 s3, s0;
	s1 =	sshll.u32 s1, $0x11  }
0xbb: {  	s0 =	sor.u32 s1, s0  }
0xbc: {  	s0 =	sadd.s32 $0x8F2B, s0  }
0xbd: {  	[sflag:s0] =	ssyncadd.remote.s32 $0x1  }
0xbe: {  	_ =	sfence.sel $0xFFFF  }
0xbf: {  	[dreg:$0x0] =	wrdreg $0xFFFFFFFF;
	(pc) =	sbr.abs _section_cstart, $3  }
0xc0: {  	[dreg:$0x1] =	wrdreg $0xFFFFFFFF  }
0xc1: {  	_ =	task.clear_ibuf [dreg:s7], $0x2FFFF;
	_ =	strace $0x9FFFFFFF  }
0xc2: {  	(tm) =	ssettm $0x7FFFFFFF  }
0xc3: {  	_ =	shalt  }
tec
execute0_lowered:
.L_overlay_start_1:
0x0: {  	(tag) =	ssettag $0x1  }
0x1: {  	s1 =	srdreg.scid  }
0x2: {  	s0 =	stileid.u32;
	s5 =	sand.u32 $0x1, s1  }
0x3: {  	s20 =	sshll.u32 s0, $0xA;
	s2 =	sshll.u32 s5, $0x9  }
0x4: {  	s8 =	sor.u32 s2, s20  }
0x5: {  	v0 =	vmov s8  }
0x6: {  	s1 =	sor.u32 $0x10, s8;
	s21 =	sor.u32 $0x20, s8;
	v28 =	vmul.u32 $0x3E8, v0  }
0x7: {  	s2 =	sor.u32 $0x30, s8;
	s22 =	sor.u32 $0x40, s8;
	s25 =	sor.u32 $0x60, s8;
	v0 =	vlaneseq.u32;
	v1 =	vmov s1;
	v2 =	vmov s21  }
0x8: {  	s9 =	sor.u32 $0x90, s8;
	s30 =	sor.u32 $0xE0, s8;
	s31 =	sor.u32 $0x110, s8;
	v3 =	vmov s2;
	v4 =	vmov s22;
	v5 =	vmov s25  }
0x9: {  	s19 =	sor.u32 $0x1E0, s8;
	s20 =	sor.u32 $0x190, s8;
	v19 =	vmov s9;
	v15 =	vmov s30;
	v13 =	vmov s31  }
0xa: {  	v6 =	vmov s19;
	v23 =	vmov s20;
	v1 =	vmul.u32 $0x3E8, v1  }
0xb: {  	s24 =	sor.u32 $0xB0, s8;
	v2 =	vmul.u32 $0x3E8, v2;
	v3 =	vmul.u32 $0x3E8, v3;
	v30 =	vmul.u32 $0x3E8, v0  }
0xc: {  	s12 =	sor.u32 $0x140, s8;
	s21 =	sor.u32 $0x1B0, s8;
	s22 =	sor.u32 $0x1D0, s8;
	v0 =	vmul.u32 $0x3E8, v4;
	v4 =	vmov s24;
	v21 =	vmul.u32 $0x3E8, v5  }
0xd: {  	v5 =	vmov s12;
	v25 =	vmov s21;
	v26 =	vmov s22  }
0xe: {  	s16 =	sor.u32 $0x170, s8;
	v23 =	vmul.u32 $0x3E8, v23;
	v4 =	vmul.u32 $0x3E8, v4;
	v12 =	vmul.u32 $0x3E8, v5  }
0xf: {  	v5 =	vmov s16;
	v26 =	vmul.u32 $0x3E8, v26;
	v29 =	vbroadcast v1, $0x0  }
0x10: {  	s6 =	rddreg [dreg:$0x0];
	s23 =	sor.u32 $0x50, s8;
	v25 =	vmul.u32 $0x3E8, v25;
	v27 =	vbroadcast v2, $0x0;
	v1 =	vbroadcast v3, $0x0  }
0x11: {  	s3 =	rddreg [dreg:$0x1];
	s18 =	sor.u32 $0x180, s8;
	s2 =	simm.s32 $0x0;
	v2 =	vmov s23;
	v3 =	vbroadcast v0, $0x0;
	v9 =	vmul.u32 $0x3E8, v5  }
0x12: {  	s7 =	sor.u32 $0x80, s8;
	s4 =	sor.u32 $0xA0, s8;
	[smem:$0x7FF] =	sst s2;
	v5 =	vmov s18;
	v23 =	vbroadcast v23, $0x0;
	v2 =	vmul.u32 $0x3E8, v2  }
0x13: {  	s11 =	sshrl.u32 s8, $0x3;
	s1 =	rddreg [dreg:$0x2];
	_ =	strace $0x80000047;
	v4 =	vbroadcast v4, $0x0;
	v8 =	vmul.u32 $0x3E8, v5;
	v5 =	vmul.u32 $0x3E8, v6  }
0x14: {  	s23 =	sor.u32 $0x1C0, s8;
	v0 =	vadd.s32 v30, v1;
	v1 =	vadd.s32 v30, v3;
	v3 =	vmov s4;
	s4 =	sadd.s32 s3, s11;
	s3 =	simm.s32 $0x2  }
0x15: {  	v32 =	vmov s23;
	v26 =	vbroadcast v26, $0x0;
	v25 =	vbroadcast v25, $0x0;
	[tilespmem:s2], [sflag:$0x2] =	stream.linear.gather [hbm4b:s4+s2], $0x200, $0x38;
	[tilespmem:$0x600] =	vst v63  }
0x16: {  	s28 =	sor.u32 $0x130, s8;
	v53 =	vbroadcast v9, $0x0;
	v24 =	vbroadcast v2, $0x0;
	v2 =	vmov s7;
	_ =	swait.ge [sflag:s3], $0x200  }
0x17: {  	s26 =	sor.u32 $0xC0, s8;
	v22 =	vmul.u32 $0x3E8, v2;
	v2 =	vadd.s32 v30, v4;
	v4 =	vmov s28;
	[sflag:s3] =	ssyncset.done $0x0  }
0x18: {  	s29 =	sor.u32 $0xD0, s8;
	v20 =	vmul.u32 $0x3E8, v3;
	v3 =	vmov s26;
	v4 =	vmul.u32 $0x3E8, v4;
	[sflag:s3] =	ssyncadd.s32 $0xFFFFFE00  }
0x19: {  	s10 =	sor.u32 $0x100, s8;
	v5 =	vbroadcast v5, $0x0;
	v18 =	vmul.u32 $0x3E8, v3;
	v3 =	vmov s29;
	v6 =	vld [tilespmem:$0x1E0]  }
0x1a: {  	s14 =	sor.u32 $0x120, s8;
	v17 =	vmul.u32 $0x3E8, v3;
	v3 =	vmov s10;
	v4 =	vbroadcast v4, $0x0;
	v31 =	vld [tilespmem:$0x130]  }
0x1b: {  	s13 =	sor.u32 $0x150, s8;
	v52 =	vbroadcast v8, $0x0;
	v16 =	vmul.u32 $0x3E8, v3;
	v3 =	vmov s14;
	v35 =	vld [tilespmem:$0x1B0]  }
0x1c: {  	s15 =	sor.u32 $0x160, s8;
	v14 =	vmul.u32 $0x3E8, v3;
	v36 =	vld [tilespmem:$0x190];
	v3 =	vadd.s32 v30, v4;
	v4 =	vmov s13  }
0x1d: {  	v5 =	vadd.s32 v30, v5;
	v33 =	vld [tilespmem:$0x1D0];
	v11 =	vmul.u32 $0x3E8, v4;
	v4 =	vmov s15  }
0x1e: {  	s17 =	sor.u32 $0x1F0, s8;
	v8 =	vadd.s32 v30, v25;
	v50 =	vld [tilespmem:$0x50];
	v10 =	vmul.u32 $0x3E8, v4;
	v37 =	vadd.s32 v6, v5  }
0x1f: {  	v25 =	vld [tilespmem:$0x160];
	v4 =	vmov s17;
	v6 =	vadd.s32 v30, v26;
	v26 =	vadd.s32 v31, v3;
	[tilespmem:$0x3E0] =	vst v37  }
0x20: {  	v9 =	vadd.s32 v30, v23;
	v7 =	vld [tilespmem:$0x1F0];
	v4 =	vmul.u32 $0x3E8, v4;
	v35 =	vadd.s32 v35, v8;
	[tilespmem:$0x330] =	vst v26  }
0x21: {  	v32 =	vmul.u32 $0x3E8, v32;
	v31 =	vld [tilespmem:$0x180];
	v36 =	vadd.s32 v36, v9;
	v54 =	vbroadcast v10, $0x0;
	[tilespmem:$0x3B0] =	vst v35  }
0x22: {  	v24 =	vadd.s32 v30, v24;
	v26 =	vld [tilespmem:$0x170];
	v51 =	vadd.s32 v33, v6;
	[tilespmem:$0x390] =	vst v36;
	v4 =	vbroadcast v4, $0x0  }
0x23: {  	v58 =	vbroadcast v12, $0x0;
	v63 =	vld [tilespmem:$0xD0];
	v35 =	vadd.s32 v50, v24;
	[tilespmem:$0x3D0] =	vst v51;
	v12 =	vadd.s32 v30, v54  }
0x24: {  	v32 =	vbroadcast v32, $0x0;
	v34 =	vld [tilespmem:$0x1C0];
	[tilespmem:$0x250] =	vst v35;
	v4 =	vadd.s32 v30, v4;
	v25 =	vadd.s32 v25, v12  }
0x25: {  	v23 =	vld [tilespmem:$0x150];
	v40 =	vbroadcast v17, $0x0;
	v10 =	vadd.s32 v30, v52;
	v7 =	vadd.s32 v7, v4;
	[tilespmem:$0x360] =	vst v25  }
0x26: {  	v55 =	vld [tilespmem:$0x140];
	v56 =	vbroadcast v11, $0x0;
	v11 =	vadd.s32 v30, v53;
	v31 =	vadd.s32 v31, v10;
	[tilespmem:$0x3F0] =	vst v7  }
0x27: {  	v43 =	vmul.u32 $0x3E8, v19;
	v19 =	vadd.s32 v30, v40;
	v54 =	vld [tilespmem:$0x20];
	v26 =	vadd.s32 v26, v11;
	[tilespmem:$0x380] =	vst v31  }
0x28: {  	v27 =	vadd.s32 v30, v27;
	v59 =	vld [tilespmem:$0x120];
	v7 =	vadd.s32 v30, v32;
	v32 =	vadd.s32 v63, v19;
	[tilespmem:$0x370] =	vst v26  }
0x29: {  	v57 =	vld [tilespmem:$0xB0];
	v31 =	vmul.u32 $0x3E8, v13;
	v13 =	vadd.s32 v30, v56;
	v34 =	vadd.s32 v34, v7;
	[tilespmem:$0x2D0] =	vst v32  }
0x2a: {  	v51 =	vld [tilespmem:$0x40];
	v26 =	vbroadcast v14, $0x0;
	v14 =	vadd.s32 v30, v58;
	v23 =	vadd.s32 v23, v13;
	[tilespmem:$0x3C0] =	vst v34  }
0x2b: {  	v60 =	vld [tilespmem:$0x110];
	v25 =	vmul.u32 $0x3E8, v15;
	v31 =	vbroadcast v31, $0x0;
	v33 =	vadd.s32 v55, v14;
	[tilespmem:$0x350] =	vst v23  }
0x2c: {  	v61 =	vld [tilespmem:$0x100];
	v23 =	vbroadcast v16, $0x0;
	v36 =	vadd.s32 v54, v27;
	v15 =	vadd.s32 v30, v26;
	[tilespmem:$0x340] =	vst v33  }
0x2d: {  	v44 =	vld [tilespmem:$0x90];
	v34 =	vbroadcast v43, $0x0;
	[tilespmem:$0x220] =	vst v36;
	v16 =	vadd.s32 v30, v31;
	v31 =	vadd.s32 v59, v15  }
0x2e: {  	v26 =	vadd.s32 v57, v2;
	v17 =	vadd.s32 v30, v23;
	v23 =	vld [tilespmem:$0x30];
	[tilespmem:$0x320] =	vst v31;
	v31 =	vbroadcast v18, $0x0  }
0x2f: {  	v49 =	vbroadcast v22, $0x0;
	[tilespmem:$0x2B0] =	vst v26;
	v26 =	vld [tilespmem:$0xC0];
	v22 =	vadd.s32 v30, v34;
	v34 =	vadd.s32 v51, v1  }
0x30: {  	v46 =	vbroadcast v20, $0x0;
	v41 =	vadd.s32 v60, v16;
	[tilespmem:$0x240] =	vst v34;
	v20 =	vadd.s32 v30, v31;
	v31 =	vld [tilespmem:$0x80]  }
0x31: {  	s25 =	sor.u32 $0xF0, s8;
	v47 =	vbroadcast v21, $0x0;
	v38 =	vld [tilespmem:$0x10];
	v25 =	vbroadcast v25, $0x0;
	v42 =	vadd.s32 v61, v17;
	[tilespmem:$0x310] =	vst v41  }
0x32: {  	v29 =	vadd.s32 v30, v29;
	v62 =	vld [tilespmem:$0xE0];
	v55 =	vmov s25;
	v52 =	vadd.s32 v44, v22;
	[tilespmem:$0x300] =	vst v42  }
0x33: {  	v32 =	vmul.u32 $0x3E8, v55;
	v18 =	vadd.s32 v30, v25;
	v25 =	vld [tilespmem:$0xA0];
	[tilespmem:$0x290] =	vst v52;
	v23 =	vadd.s32 v23, v0  }
0x34: {  	s24 =	sor.u32 $0x1A0, s8;
	v21 =	vadd.s32 v30, v46;
	v56 =	vld [tilespmem:$0xF0];
	v26 =	vadd.s32 v26, v20;
	[tilespmem:$0x230] =	vst v23;
	v23 =	vadd.s32 v30, v49  }
0x35: {  	s8 =	sor.u32 $0x70, s8;
	v48 =	vld [tilespmem:$0x60];
	v32 =	vbroadcast v32, $0x0;
	[tilespmem:$0x2C0] =	vst v26;
	v26 =	vmov s24;
	v31 =	vadd.s32 v31, v23  }
0x36: {  	v53 =	vld [tilespmem:$0x1A0];
	v60 =	vadd.s32 v38, v29;
	v26 =	vmul.u32 $0x3E8, v26;
	[tilespmem:$0x280] =	vst v31;
	v31 =	vmov s8  }
0x37: {  	s5 =	ssub.s32 $0x2, s5;
	s9 =	sadd.s32 $0x200400, s6;
	v57 =	vld [tilespmem:$0x70];
	v59 =	vbroadcast v28, $0x0;
	v45 =	vadd.s32 v62, v18;
	[tilespmem:$0x210] =	vst v60;
	v31 =	vmul.u32 $0x3E8, v31  }
0x38: {  	s30 =	sshrl.u32 s10, $0x3;
	s31 =	sshrl.u32 s18, $0x3;
	s19 =	simm.s32 $0x380;
	v58 =	vld [tilespmem:$0x0];
	[tilespmem:$0x2E0] =	vst v45;
	v28 =	vadd.s32 v30, v32;
	v25 =	vadd.s32 v25, v21;
	v26 =	vbroadcast v26, $0x0  }
0x39: {  	s12 =	simm.s32 $0x400;
	s16 =	simm.s32 $0x200;
	s28 =	sshrl.u32 s5, $0x1;
	v61 =	vadd.s32 v56, v28;
	[tilespmem:$0x2A0] =	vst v25;
	v25 =	vadd.s32 v30, v47;
	v31 =	vbroadcast v31, $0x0  }
0x3a: {  	s18 =	simm.s32 $0x300;
	s26 =	sadd.s32 $0x3F4400, s6;
	s14 =	ssub.s32 s5, s28;
	[tilespmem:$0x2F0] =	vst v61;
	v37 =	vadd.s32 v48, v25;
	v26 =	vadd.s32 v30, v26  }
0x3b: {  	s6 =	sadd.s32 s26, s11;
	s29 =	sshrl.u32 s7, $0x3;
	s20 =	smax.u32 s14, $0x1;
	[tilespmem:$0x260] =	vst v37;
	v33 =	vadd.s32 v53, v26;
	v31 =	vadd.s32 v30, v31  }
0x3c: {  	s11 =	simm.s32 $0x500;
	s7 =	sadd.s32 s26, s29;
	p0 =	sne.s32 s20, $0x1;
	[tilespmem:$0x3A0] =	vst v33;
	v30 =	vadd.s32 v30, v59;
	v62 =	vadd.s32 v57, v31  }
.Ltmp0:
0x3d: {  	s10 =	simm.s32 $0x580;
	s5 =	sadd.s32 s26, s31;
	v63 =	vadd.s32 v58, v30;
	[tilespmem:$0x270] =	vst v62;
	(pc) =	sbr.rel @!p0 .LBB2_2-.Ltmp0, $4  }
0x3e: {  	s14 =	simm.s32 $0x80;
	s20 =	sadd.s32 $0xFFFFFFFF, s20;
	s13 =	simm.s32 $0x480;
	[tilespmem:$0x200] =	vst v63  }
0x3f: {  	[tilespmem:s12], [sflag:$0x1] =	stream.indirect.gather [hbm4b:s9+s14], $0x1, s16, s14, $0xb8;
	[tilespmem:$0x600] =	vst v63  }
0x40: {  	s15 =	simm.s32 $0x1;
	s17 =	simm.s32 $0x280;
	s8 =	sadd.s32 s26, s30  }
0x41: {  	[tilespmem:s13], [sflag:$0x1] =	stream.indirect.gather [hbm4b:s9+s14], $0x1, s17, s14, $0xb8;
	[tilespmem:$0x600] =	vst v63  }
.LBB2_1:
0x42: {  	p0 =	sne.s32 s20, $0x1;
	s20 =	sadd.s32 $0xFFFFFFFF, s20  }
0x43: {  	[tilespmem:s11], [sflag:$0x1] =	stream.indirect.gather [hbm4b:s9+s14], $0x1, s18, s14, $0xb8;
	[tilespmem:$0x600] =	vst v63  }
0x44: {  	_ = 	snop  }
0x45: {  	[tilespmem:s10], [sflag:$0x1] =	stream.indirect.gather [hbm4b:s9+s14], $0x1, s19, s14, $0xb8;
	[tilespmem:$0x600] =	vst v63  }
0x46: {  	_ =	swait.ge [sflag:s15], $0x80  }
0x47: {  	[sflag:s15] =	ssyncset.done $0x0  }
0x48: {  	[sflag:s15] =	ssyncadd.s32 $0xFFFFFF80  }
0x49: {  	_ =	swait.ge [sflag:s15], $0x80  }
0x4a: {  	[sflag:s15] =	ssyncset.done $0x0  }
0x4b: {  	[sflag:s15] =	ssyncadd.s32 $0xFFFFFF80  }
0x4c: {  	_ =	swait.ge [sflag:s15], $0x80  }
0x4d: {  	[sflag:s15] =	ssyncset.done $0x0  }
0x4e: {  	[sflag:s15] =	ssyncadd.s32 $0xFFFFFF80  }
0x4f: {  	_ =	swait.ge [sflag:s15], $0x80  }
0x50: {  	[sflag:s15] =	ssyncset.done $0x0  }
0x51: {  	[sflag:s15] =	ssyncadd.s32 $0xFFFFFF80  }
0x52: {  	[hbm4b:s6+s2] =	stream.linear.scatter [tilespmem:s12], [sflag:$0x2], $0x80, $0x38;
	[tilespmem:$0x600] =	vst v63  }
0x53: {  	_ =	swait.ge [sflag:s3], $0x80  }
0x54: {  	[sflag:s3] =	ssyncset.done $0x0  }
0x55: {  	[sflag:s3] =	ssyncadd.s32 $0xFFFFFF80  }
0x56: {  	[hbm4b:s7+s2] =	stream.linear.scatter [tilespmem:s13], [sflag:$0x2], $0x80, $0x38;
	[tilespmem:$0x600] =	vst v63  }
0x57: {  	_ =	swait.ge [sflag:s3], $0x80  }
0x58: {  	[sflag:s3] =	ssyncset.done $0x0  }
0x59: {  	[sflag:s3] =	ssyncadd.s32 $0xFFFFFF80  }
0x5a: {  	[hbm4b:s8+s2] =	stream.linear.scatter [tilespmem:s11], [sflag:$0x2], $0x80, $0x38;
	[tilespmem:$0x600] =	vst v63  }
0x5b: {  	_ =	swait.ge [sflag:s3], $0x80  }
0x5c: {  	[sflag:s3] =	ssyncset.done $0x0  }
0x5d: {  	[sflag:s3] =	ssyncadd.s32 $0xFFFFFF80  }
0x5e: {  	[hbm4b:s5+s2] =	stream.linear.scatter [tilespmem:s10], [sflag:$0x2], $0x80, $0x38;
	[tilespmem:$0x600] =	vst v63  }
0x5f: {  	_ =	swait.ge [sflag:s3], $0x80  }
0x60: {  	[sflag:s3] =	ssyncset.done $0x0  }
0x61: {  	[sflag:s3] =	ssyncadd.s32 $0xFFFFFF80  }
0x62: {  	[tilespmem:s2], [sflag:$0x2] =	stream.linear.gather [hbm4b:s4+s2], $0x200, $0x38;
	[tilespmem:$0x600] =	vst v63  }
0x63: {  	_ =	swait.ge [sflag:s3], $0x200  }
0x64: {  	[sflag:s3] =	ssyncset.done $0x0  }
0x65: {  	[sflag:s3] =	ssyncadd.s32 $0xFFFFFE00  }
0x66: {  	v32 =	vld [tilespmem:$0x1F0]  }
0x67: {  	v33 =	vld [tilespmem:$0x1E0]  }
0x68: {  	v34 =	vld [tilespmem:$0x130]  }
0x69: {  	v35 =	vld [tilespmem:$0x1D0]  }
0x6a: {  	v36 =	vld [tilespmem:$0x1C0]  }
0x6b: {  	v37 =	vld [tilespmem:$0x1B0];
	v32 =	vadd.s32 v32, v4  }
0x6c: {  	v38 =	vld [tilespmem:$0x190];
	v33 =	vadd.s32 v33, v5;
	[tilespmem:$0x3F0] =	vst v32  }
0x6d: {  	v32 =	vadd.s32 v34, v3;
	v34 =	vld [tilespmem:$0x180];
	[tilespmem:$0x3E0] =	vst v33  }
0x6e: {  	[tilespmem:$0x330] =	vst v32;
	v32 =	vld [tilespmem:$0x170];
	v33 =	vadd.s32 v35, v6  }
0x6f: {  	v35 =	vld [tilespmem:$0x160];
	v36 =	vadd.s32 v36, v7;
	[tilespmem:$0x3D0] =	vst v33  }
0x70: {  	v33 =	vld [tilespmem:$0x150];
	v37 =	vadd.s32 v37, v8;
	[tilespmem:$0x3C0] =	vst v36  }
0x71: {  	v36 =	vld [tilespmem:$0x140];
	v38 =	vadd.s32 v38, v9;
	[tilespmem:$0x3B0] =	vst v37  }
0x72: {  	v37 =	vld [tilespmem:$0xB0];
	v34 =	vadd.s32 v34, v10;
	[tilespmem:$0x390] =	vst v38  }
0x73: {  	v38 =	vld [tilespmem:$0x120];
	v32 =	vadd.s32 v32, v11;
	[tilespmem:$0x380] =	vst v34  }
0x74: {  	v34 =	vld [tilespmem:$0x110];
	v35 =	vadd.s32 v35, v12;
	[tilespmem:$0x370] =	vst v32  }
0x75: {  	v32 =	vld [tilespmem:$0x100];
	v33 =	vadd.s32 v33, v13;
	[tilespmem:$0x360] =	vst v35  }
0x76: {  	v35 =	vld [tilespmem:$0xE0];
	v36 =	vadd.s32 v36, v14;
	[tilespmem:$0x350] =	vst v33  }
0x77: {  	v33 =	vadd.s32 v37, v2;
	v37 =	vld [tilespmem:$0xD0];
	[tilespmem:$0x340] =	vst v36  }
0x78: {  	[tilespmem:$0x2B0] =	vst v33;
	v33 =	vld [tilespmem:$0xC0];
	v36 =	vadd.s32 v38, v15  }
0x79: {  	v38 =	vld [tilespmem:$0x30];
	v34 =	vadd.s32 v34, v16;
	[tilespmem:$0x320] =	vst v36  }
0x7a: {  	v36 =	vld [tilespmem:$0xA0];
	v32 =	vadd.s32 v32, v17;
	[tilespmem:$0x310] =	vst v34  }
0x7b: {  	v34 =	vld [tilespmem:$0x90];
	v35 =	vadd.s32 v35, v18;
	[tilespmem:$0x300] =	vst v32  }
0x7c: {  	v32 =	vld [tilespmem:$0x80];
	v37 =	vadd.s32 v37, v19;
	[tilespmem:$0x2E0] =	vst v35  }
0x7d: {  	v35 =	vld [tilespmem:$0x60];
	v33 =	vadd.s32 v33, v20;
	[tilespmem:$0x2D0] =	vst v37  }
0x7e: {  	v37 =	vadd.s32 v38, v0;
	v38 =	vld [tilespmem:$0x50];
	[tilespmem:$0x2C0] =	vst v33  }
0x7f: {  	[tilespmem:$0x230] =	vst v37;
	v33 =	vld [tilespmem:$0x40];
	v36 =	vadd.s32 v36, v21  }
0x80: {  	v34 =	vadd.s32 v34, v22;
	[tilespmem:$0x2A0] =	vst v36;
	v36 =	vld [tilespmem:$0x1A0]  }
0x81: {  	v37 =	vld [tilespmem:$0x20];
	v32 =	vadd.s32 v32, v23;
	[tilespmem:$0x290] =	vst v34  }
0x82: {  	v34 =	vld [tilespmem:$0x10];
	v35 =	vadd.s32 v35, v25;
	[tilespmem:$0x280] =	vst v32  }
0x83: {  	v32 =	vadd.s32 v38, v24;
	[tilespmem:$0x260] =	vst v35;
	v35 =	vld [tilespmem:$0xF0]  }
0x84: {  	v33 =	vadd.s32 v33, v1;
	[tilespmem:$0x250] =	vst v32;
	v32 =	vld [tilespmem:$0x70]  }
0x85: {  	v38 =	vld [tilespmem:$0x0];
	[tilespmem:$0x240] =	vst v33;
	v33 =	vadd.s32 v36, v26  }
0x86: {  	v36 =	vadd.s32 v37, v27;
	[tilespmem:$0x3A0] =	vst v33  }
0x87: {  	v33 =	vadd.s32 v34, v29;
	[tilespmem:$0x220] =	vst v36  }
0x88: {  	[tilespmem:$0x210] =	vst v33;
	v33 =	vadd.s32 v35, v28  }
0x89: {  	v32 =	vadd.s32 v32, v31;
	[tilespmem:$0x2F0] =	vst v33  }
.Ltmp1:
0x8a: {  	v33 =	vadd.s32 v38, v30;
	[tilespmem:$0x270] =	vst v32;
	(pc) =	sbr.rel @p0 .LBB2_1-.Ltmp1, $4  }
0x8b: {  	[tilespmem:$0x200] =	vst v33  }
0x8c: {  	[tilespmem:s12], [sflag:$0x1] =	stream.indirect.gather [hbm4b:s9+s14], $0x1, s16, s14, $0xb8;
	[tilespmem:$0x600] =	vst v63  }
0x8d: {  	_ = 	snop  }
0x8e: {  	[tilespmem:s13], [sflag:$0x1] =	stream.indirect.gather [hbm4b:s9+s14], $0x1, s17, s14, $0xb8;
	[tilespmem:$0x600] =	vst v63  }
.LBB2_2:
0x8f: {  	[tilespmem:s11], [sflag:$0x1] =	stream.indirect.gather [hbm4b:s9+s14], $0x1, s18, s14, $0xb8;
	[tilespmem:$0x600] =	vst v63  }
0x90: {  	_ = 	snop  }
0x91: {  	[tilespmem:s10], [sflag:$0x1] =	stream.indirect.gather [hbm4b:s9+s14], $0x1, s19, s14, $0xb8;
	[tilespmem:$0x600] =	vst v63  }
0x92: {  	_ =	swait.ge [sflag:s15], $0x80  }
0x93: {  	[sflag:s15] =	ssyncset.done $0x0  }
0x94: {  	[sflag:s15] =	ssyncadd.s32 $0xFFFFFF80  }
0x95: {  	_ =	swait.ge [sflag:s15], $0x80  }
0x96: {  	[sflag:s15] =	ssyncset.done $0x0  }
0x97: {  	[sflag:s15] =	ssyncadd.s32 $0xFFFFFF80  }
0x98: {  	_ =	swait.ge [sflag:s15], $0x80  }
0x99: {  	[sflag:s15] =	ssyncset.done $0x0  }
0x9a: {  	[sflag:s15] =	ssyncadd.s32 $0xFFFFFF80  }
0x9b: {  	_ =	swait.ge [sflag:s15], $0x80  }
0x9c: {  	[sflag:s15] =	ssyncset.done $0x0  }
0x9d: {  	[sflag:s15] =	ssyncadd.s32 $0xFFFFFF80  }
0x9e: {  	[hbm4b:s6+s2] =	stream.linear.scatter [tilespmem:s12], [sflag:$0x2], $0x80, $0x38;
	[tilespmem:$0x600] =	vst v63  }
0x9f: {  	_ =	swait.ge [sflag:s3], $0x80  }
0xa0: {  	[sflag:s3] =	ssyncset.done $0x0  }
0xa1: {  	[sflag:s3] =	ssyncadd.s32 $0xFFFFFF80  }
0xa2: {  	[hbm4b:s7+s2] =	stream.linear.scatter [tilespmem:s13], [sflag:$0x2], $0x80, $0x38;
	[tilespmem:$0x600] =	vst v63  }
0xa3: {  	_ =	swait.ge [sflag:s3], $0x80  }
0xa4: {  	[sflag:s3] =	ssyncset.done $0x0  }
0xa5: {  	[sflag:s3] =	ssyncadd.s32 $0xFFFFFF80  }
0xa6: {  	[hbm4b:s8+s2] =	stream.linear.scatter [tilespmem:s11], [sflag:$0x2], $0x80, $0x38;
	[tilespmem:$0x600] =	vst v63  }
0xa7: {  	_ =	swait.ge [sflag:s3], $0x80  }
0xa8: {  	[sflag:s3] =	ssyncset.done $0x0  }
0xa9: {  	[sflag:s3] =	ssyncadd.s32 $0xFFFFFF80  }
0xaa: {  	[hbm4b:s5+s2] =	stream.linear.scatter [tilespmem:s10], [sflag:$0x2], $0x80, $0x38;
	[tilespmem:$0x600] =	vst v63  }
0xab: {  	_ =	swait.ge [sflag:s3], $0x80  }
0xac: {  	[sflag:s3] =	ssyncset.done $0x0  }
0xad: {  	[sflag:s3] =	ssyncadd.s32 $0xFFFFFF80  }
0xae: {  	_ =	sfence.sel $0x180000  }
0xaf: {  	[bflag:$0x0] =	sbarrier.arrive $0xFFFF  }
0xb0: {  	p0 =	sne.s32 s0, $0x0;
	_ =	strace $0x90000047  }
0xb1: {  	s0 =	sadd.s32 @!p0 $0x100000, s1;
	[bflag:$0x2] =	sbarrier.arrive $0xFFFF  }
0xb2: {  	[sflag:s0] =	ssyncadd.tile.s32 @!p0 $0x1;
	_ =	shalt  }
.Lfunc_end2:
_tile_overlayer_lowered:
.L_overlay_start_2:
0xb3: {  	(tag) =	ssettag $0x2  }
0xb4: {  	s0 =	rddreg [dreg:$0x0];
	s2 =	stileid.u32  }
0xb5: {  	s1 =	rddreg [dreg:$0x1];
	p0 =	sne.s32 s2, $0x0  }
0xb6: {  	s3 =	rddreg [dreg:$0x2];
	[bflag:$0x3] =	sbarrier.arrive $0xFFFF;
	s2 =	simm.s32 @!p0 $0x1C02  }
0xb7: {  	[timem:s3], [sflag:s2] =	dma.local @!p0 [hbm:s0], s1  }
0xb8: {  	s0 =	simm.s32 @!p0 $0x2  }
0xb9: {  	_ =	swait.ge @!p0 [sflag:s0], s1  }
0xba: {  	s1 =	ssub.s32 @!p0 $0x0, s1;
	[sflag:s0] =	ssyncset.done @!p0 $0x0  }
0xbb: {  	[sflag:s0] =	ssyncadd.s32 @!p0 s1  }
0xbc: {  	[bflag:$0x3] =	sbarrier.arrive $0xFFFF  }
0xbd: {  	_ =	shalt  }

</sc_bundles>
